<compile_context>
chip_gen: v7x
topology: tpu7x:2x2x1
jax: 0.10.2.dev20260603
libtpu: 0.0.44.dev20260713+nightly
codegen_flags: <defaults>
</compile_context>

<pallas_src>
import jax
import jax.numpy as jnp
from jax import lax
from jax.experimental import pallas as pl
from jax.experimental.pallas import tpu as pltpu
from jax.experimental.pallas import tpu_sc as plsc

N_NODES = 10000
IN_CH = 256
OUT_CH = 256
HALF = OUT_CH // 2
N_EDGES = 160000

N_TILES = 16
N_CORES = 2
NH = 10240
ROWS_PER_TILE = NH // N_TILES
CHUNK = 128
EPAD = 163840
EDGE_PER_W32 = EPAD // (N_CORES * N_TILES)
EDGE_PER_T = EPAD // N_TILES

RB = 400
NB = N_NODES // RB


CW = EDGE_PER_W32 // CHUNK
CPT = EDGE_PER_T // CHUNK
NBUF = 2
SPLIT = 4


def _hist_body(dstr_hbm, ones_hbm, z1_hbm, out_hbm, didx_v, ones_v, hist_sh):
    c = lax.axis_index("c")
    s = lax.axis_index("s")
    rbase = s * ROWS_PER_TILE
    pltpu.sync_copy(z1_hbm, hist_sh.at[pl.ds(rbase, ROWS_PER_TILE)])
    pltpu.sync_copy(ones_hbm, ones_v)
    wid = s * N_CORES + c
    pltpu.sync_copy(dstr_hbm.at[pl.ds(wid * CW, CW)], didx_v)
    plsc.subcore_barrier()

    def body(k, carry):
        pltpu.sync_copy(ones_v, hist_sh.at[didx_v.at[k]], add=True)
        return carry

    lax.fori_loop(0, CW, body, 0)
    plsc.subcore_barrier()
    pltpu.sync_copy(hist_sh.at[pl.ds(rbase, ROWS_PER_TILE)],
                    out_hbm.at[c, pl.ds(rbase, ROWS_PER_TILE)])


_hist_call = pl.kernel(
    _hist_body,
    out_type=jax.ShapeDtypeStruct((N_CORES, NH), jnp.float32),
    mesh=plsc.VectorSubcoreMesh(core_axis_name="c", subcore_axis_name="s"),
    scratch_types=[
        pltpu.VMEM((CW, CHUNK), jnp.int32),
        pltpu.VMEM((CHUNK,), jnp.float32),
        pltpu.VMEM_SHARED((NH,), jnp.float32),
    ],
)


def _agg_body(idxp_hbm, y_hbm, z2_hbm, out_hbm,
              idxp_v, sidx_v, didx_v, rows_v, acc_sh, sems):
    c = lax.axis_index("c")
    s = lax.axis_index("s")
    rbase = s * ROWS_PER_TILE
    pltpu.sync_copy(z2_hbm, acc_sh.at[pl.ds(rbase, ROWS_PER_TILE)])
    pltpu.sync_copy(idxp_hbm.at[c, pl.ds(s * CPT, CPT)], idxp_v)
    plsc.subcore_barrier()

    def unpack(j, b):
        for i in range(CHUNK // 16):
            v = idxp_v[j, pl.ds(i * 16, 16)]
            sidx_v[b, pl.ds(i * 16, 16)] = v & 0xFFFF
            didx_v[b, pl.ds(i * 16, 16)] = lax.shift_right_logical(v, 16)

    def gathers(b):
        return [pltpu.make_async_copy(
                    y_hbm.at[sidx_v.at[b]], rows_v.at[b], sems.at[b, 0])]

    for b in range(NBUF):
        unpack(b, b)
        for g in gathers(b):
            g.start()

    def outer(it, carry):
        kk = it * NBUF
        for b in range(NBUF):
            j = kk + b
            for g in gathers(b):
                g.wait()
            pltpu.sync_copy(rows_v.at[b], acc_sh.at[didx_v.at[b]], add=True)
            jn = j + NBUF

            @pl.when(jn < CPT)
            def _():
                unpack(jn, b)
                for g in gathers(b):
                    g.start()
        return carry

    lax.fori_loop(0, CPT // NBUF, outer, 0)
    plsc.subcore_barrier()
    pltpu.sync_copy(acc_sh.at[pl.ds(rbase, ROWS_PER_TILE)],
                    out_hbm.at[c, pl.ds(rbase, ROWS_PER_TILE)])


_agg_call = pl.kernel(
    _agg_body,
    out_type=jax.ShapeDtypeStruct((N_CORES, NH, HALF), jnp.float32),
    mesh=plsc.VectorSubcoreMesh(core_axis_name="c", subcore_axis_name="s"),
    scratch_types=[
        pltpu.VMEM((CPT, CHUNK), jnp.int32),
        pltpu.VMEM((NBUF, CHUNK), jnp.int32),
        pltpu.VMEM((NBUF, CHUNK), jnp.int32),
        pltpu.VMEM((NBUF, CHUNK, HALF), jnp.float32),
        pltpu.VMEM_SHARED((NH, HALF), jnp.float32),
        pltpu.SemaphoreType.DMA((NBUF, SPLIT)),
    ],
)


def _mm_body(x_ref, w_ref, o_ref):
    o_ref[...] = jnp.dot(x_ref[...], w_ref[...],
                         preferred_element_type=jnp.float32)


def _mm_call(x, W):
    return pl.pallas_call(
        _mm_body,
        grid=(NB,),
        in_specs=[pl.BlockSpec((RB, IN_CH), lambda i: (i, 0)),
                  pl.BlockSpec((IN_CH, OUT_CH), lambda i: (0, 0))],
        out_specs=pl.BlockSpec((RB, OUT_CH), lambda i: (i, 0)),
        out_shape=jax.ShapeDtypeStruct((N_NODES, OUT_CH), jnp.float32),
    )(x, W)


def _scale_body(xw_ref, hp_ref, y_ref):
    deg = hp_ref[:, 0] + hp_ref[:, 1] + 1.0
    dis = lax.rsqrt(deg)[:, None]
    xwb = xw_ref[...]
    y_ref[0, ...] = xwb[:, :HALF] * dis
    y_ref[1, ...] = xwb[:, HALF:] * dis


def _scale_call(xw, hist_t):
    return pl.pallas_call(
        _scale_body,
        grid=(NB,),
        in_specs=[pl.BlockSpec((RB, IN_CH), lambda i: (i, 0)),
                  pl.BlockSpec((RB, N_CORES), lambda i: (i, 0))],
        out_specs=pl.BlockSpec((N_CORES, RB, HALF), lambda i: (0, i, 0)),
        out_shape=jax.ShapeDtypeStruct((N_CORES, N_NODES, HALF), jnp.float32),
    )(xw, hist_t)


def _fin_body(agg_ref, y_ref, hp_ref, b_ref, o_ref):
    deg = hp_ref[:, 0] + hp_ref[:, 1] + 1.0
    dis = lax.rsqrt(deg)[:, None]
    h0 = dis * (agg_ref[0] + y_ref[0]) + b_ref[0, :HALF][None, :]
    h1 = dis * (agg_ref[1] + y_ref[1]) + b_ref[0, HALF:][None, :]
    o_ref[...] = jnp.concatenate([h0, h1], axis=1)


def _fin_call(agg, y_pair, hist_t, b2d):
    return pl.pallas_call(
        _fin_body,
        grid=(NB,),
        in_specs=[pl.BlockSpec((N_CORES, RB, HALF), lambda i: (0, i, 0)),
                  pl.BlockSpec((N_CORES, RB, HALF), lambda i: (0, i, 0)),
                  pl.BlockSpec((RB, N_CORES), lambda i: (i, 0)),
                  pl.BlockSpec((1, OUT_CH), lambda i: (0, 0))],
        out_specs=pl.BlockSpec((RB, OUT_CH), lambda i: (i, 0)),
        out_shape=jax.ShapeDtypeStruct((N_NODES, OUT_CH), jnp.float32),
    )(agg, y_pair, hist_t, b2d)


def kernel(x, edge_index, W, b):
    ei = edge_index.astype(jnp.int32)
    src, dst = ei[0], ei[1]
    pad = EPAD - N_EDGES
    src_pad = jnp.concatenate([src, jnp.zeros((pad,), jnp.int32)])
    dst_pad = jnp.concatenate([dst, jnp.full((pad,), N_NODES, jnp.int32)])
    src2 = jnp.stack([src_pad, src_pad + N_NODES])
    idxp = (src2 | (dst_pad << 16)[None, :]).reshape(
        N_CORES, EPAD // CHUNK, CHUNK)
    dstr = dst_pad.reshape(EPAD // CHUNK, CHUNK)

    ones128 = jnp.ones((CHUNK,), jnp.float32)
    z1 = jnp.zeros((ROWS_PER_TILE,), jnp.float32)
    z2 = jnp.zeros((ROWS_PER_TILE, HALF), jnp.float32)

    hist = _hist_call(dstr, ones128, z1)
    hist_t = hist.T
    xw = _mm_call(x, W)
    y_pair = _scale_call(xw, hist_t)
    y_flat = y_pair.reshape(N_CORES * N_NODES, HALF)
    agg = _agg_call(idxp, y_flat, z2)
    return _fin_call(agg, y_pair, hist_t, b.reshape(1, OUT_CH))

# --- scband reference (transcript-rebuilt; emitter-appended) ---
"""Pipeline reference for scband-linear-encoder-32255204393506 (READ-ONLY COPY).

The authoritative reference and input builder live on the scoring server;
editing this copy changes nothing except your own understanding.
"""

import jax, jax.numpy as jnp
import numpy as np

N_NODES = 10000
N_EDGES = 160000
IN_CH = 256
OUT_CH = 256


def setup_inputs(seed: int = 0) -> dict:
    key = jax.random.key(seed)
    k1, k2, k3, k4 = jax.random.split(key, 4)
    x = jax.random.normal(k1, (N_NODES, IN_CH), dtype=jnp.float32)
    edge_index = jax.random.randint(k2, (2, N_EDGES), 0, N_NODES, dtype=jnp.int64)
    # GCNConv parameters: weight [in, out] (applied as x @ W), bias [out]
    W = jax.random.normal(k3, (IN_CH, OUT_CH), dtype=jnp.float32) * (1.0 / np.sqrt(IN_CH))
    b = jnp.zeros((OUT_CH,), dtype=jnp.float32)
    return {"x": x, "edge_index": edge_index, "W": W, "b": b}


def reference(x, edge_index, W, b):
    # Faithful GCNConv (PyG semantics): add self-loops, symmetric normalization,
    # linear transform, scatter-add aggregation over dst, plus bias.
    N = x.shape[0]
    loops = jnp.arange(N, dtype=edge_index.dtype)
    src = jnp.concatenate([edge_index[0], loops])
    dst = jnp.concatenate([edge_index[1], loops])
    # degree on destination nodes (includes self-loops, so deg >= 1)
    deg = jnp.zeros((N,), dtype=x.dtype).at[dst].add(jnp.ones_like(dst, dtype=x.dtype))
    deg_inv_sqrt = deg ** -0.5
    norm = deg_inv_sqrt[src] * deg_inv_sqrt[dst]
    xw = x @ W
    msgs = jnp.take(xw, src, axis=0) * norm[:, None]
    out = jnp.zeros((N, W.shape[1]), dtype=x.dtype).at[dst].add(msgs)
    return out + b

if __name__ == "__main__":
    import jax
    _d = setup_inputs()
    print(jax.jit(kernel)(*tuple(_d.values())))

</pallas_src>

<mosaic_0001>
#map = affine_map<(d0, d1) -> (0, 0)>
#map1 = affine_map<(d0, d1) -> (0)>
module attributes {stable_mosaic.version = 14 : i64} {
  func.func @_hist_body(%arg0: i32, %arg1: i32, %arg2: memref<1280x128xi32, #tpu.memory_space<hbm>>, %arg3: memref<128xf32, #tpu.memory_space<hbm>>, %arg4: memref<640xf32, #tpu.memory_space<hbm>>, %arg5: memref<2x10240xf32, #tpu.memory_space<hbm>>, %arg6: memref<40x128xi32, #tpu.memory_space<vmem>>, %arg7: memref<128xf32, #tpu.memory_space<vmem>>, %arg8: memref<10240xf32, #tpu.memory_space<vmem_shared>>) attributes {dimension_semantics = [#tpu.dimension_semantics<core_parallel>, #tpu.dimension_semantics<subcore_parallel>], iteration_bounds = array<i64: 2, 16>, scalar_prefetch = 0 : i64, scratch_operands = 3 : i64, tpu.core_type = #tpu.core_type<sc_vector_subcore>, window_params = [{transform_indices = #map}, {transform_indices = #map1}, {transform_indices = #map1}, {transform_indices = #map}]} {
    %mul3A = arith.constant 640 : i32
    %mul3A_0 = arith.muli %arg1, %mul3A : i32
    "tpu.region"() ({
      %run_scoped3A = tpu.sem_alloc : memref<!tpu.dma_semaphore, #tpu.memory_space<semaphore_mem>>
      %dma_start3A = tpu.memref_slice %arg8[%mul3A_0] : memref<10240xf32, #tpu.memory_space<vmem_shared>> -> memref<640xf32, #tpu.memory_space<vmem_shared>>
      tpu.enqueue_dma source(%arg4 : memref<640xf32, #tpu.memory_space<hbm>>) target(%dma_start3A : memref<640xf32, #tpu.memory_space<vmem_shared>>) target_semaphore(%run_scoped3A : memref<!tpu.dma_semaphore, #tpu.memory_space<semaphore_mem>>)
      %dma_wait3A = tpu.memref_slice %arg8[%mul3A_0] : memref<10240xf32, #tpu.memory_space<vmem_shared>> -> memref<640xf32, #tpu.memory_space<vmem_shared>>
      tpu.wait_dma2 semaphore(%run_scoped3A : memref<!tpu.dma_semaphore, #tpu.memory_space<semaphore_mem>>) src(%arg4 : memref<640xf32, #tpu.memory_space<hbm>>) dst(%dma_wait3A : memref<640xf32, #tpu.memory_space<vmem_shared>>)
      tpu.yield
    }) : () -> ()
    "tpu.region"() ({
      %run_scoped3A = tpu.sem_alloc : memref<!tpu.dma_semaphore, #tpu.memory_space<semaphore_mem>>
      tpu.enqueue_dma source(%arg3 : memref<128xf32, #tpu.memory_space<hbm>>) target(%arg7 : memref<128xf32, #tpu.memory_space<vmem>>) target_semaphore(%run_scoped3A : memref<!tpu.dma_semaphore, #tpu.memory_space<semaphore_mem>>)
      tpu.wait_dma2 semaphore(%run_scoped3A : memref<!tpu.dma_semaphore, #tpu.memory_space<semaphore_mem>>) src(%arg3 : memref<128xf32, #tpu.memory_space<hbm>>) dst(%arg7 : memref<128xf32, #tpu.memory_space<vmem>>)
      tpu.yield
    }) : () -> ()
    %mul3A_1 = arith.constant 2 : i32
    %mul3A_2 = arith.muli %arg1, %mul3A_1 : i32
    %add3A = arith.addi %mul3A_2, %arg0 : i32
    %mul3A_3 = arith.constant 40 : i32
    %mul3A_4 = arith.muli %add3A, %mul3A_3 : i32
    "tpu.region"() ({
      %run_scoped3A = tpu.sem_alloc : memref<!tpu.dma_semaphore, #tpu.memory_space<semaphore_mem>>
      %dma_start3A = arith.constant 0 : i32
      %dma_start3A_11 = tpu.memref_slice %arg2[%mul3A_4, %dma_start3A] : memref<1280x128xi32, #tpu.memory_space<hbm>> -> memref<40x128xi32, #tpu.memory_space<hbm>>
      %dma_start3A_12 = arith.constant 0 : i32
      %dma_start3A_13 = tpu.memref_slice %arg2[%mul3A_4, %dma_start3A_12] : memref<1280x128xi32, #tpu.memory_space<hbm>> -> memref<40x128xi32, #tpu.memory_space<hbm>>
      tpu.enqueue_dma source(%dma_start3A_13 : memref<40x128xi32, #tpu.memory_space<hbm>>) target(%arg6 : memref<40x128xi32, #tpu.memory_space<vmem>>) target_semaphore(%run_scoped3A : memref<!tpu.dma_semaphore, #tpu.memory_space<semaphore_mem>>)
      %dma_wait3A = arith.constant 0 : i32
      %dma_wait3A_14 = tpu.memref_slice %arg2[%mul3A_4, %dma_wait3A] : memref<1280x128xi32, #tpu.memory_space<hbm>> -> memref<40x128xi32, #tpu.memory_space<hbm>>
      %dma_wait3A_15 = arith.constant 0 : i32
      %dma_wait3A_16 = tpu.memref_slice %arg2[%mul3A_4, %dma_wait3A_15] : memref<1280x128xi32, #tpu.memory_space<hbm>> -> memref<40x128xi32, #tpu.memory_space<hbm>>
      tpu.wait_dma2 semaphore(%run_scoped3A : memref<!tpu.dma_semaphore, #tpu.memory_space<semaphore_mem>>) src(%dma_wait3A_16 : memref<40x128xi32, #tpu.memory_space<hbm>>) dst(%arg6 : memref<40x128xi32, #tpu.memory_space<vmem>>)
      tpu.yield
    }) : () -> ()
    %barrier3A = arith.constant 0 : index
    tpu.barrier barrier_id(%barrier3A)
    %scan3A = arith.constant 0 : i32
    %scan3A_5 = arith.constant 0 : i32
    %scan3A_6 = arith.constant 40 : i32
    %scan3A_7 = arith.addi %scan3A_5, %scan3A_6 : i32
    %scan3A_8 = arith.constant 1 : i32
    scf.for %scan3A_11 = %scan3A_5 to %scan3A_7 step %scan3A_8  : i32 {
      "tpu.region"() ({
        %run_scoped3A = tpu.sem_alloc : memref<!tpu.dma_semaphore, #tpu.memory_space<semaphore_mem>>
        %dma_start3A = arith.constant 0 : i32
        %dma_start3A_12 = tpu.memref_slice %arg6[%scan3A_11, %dma_start3A] : memref<40x128xi32, #tpu.memory_space<vmem>> -> memref<1x128xi32, #tpu.memory_space<vmem>>
        %dma_start3A_13 = tpu.memref_squeeze %dma_start3A_12 : memref<1x128xi32, #tpu.memory_space<vmem>> -> memref<128xi32, #tpu.memory_space<vmem>>
        %dma_start3A_14 = arith.constant 0 : i32
        %dma_start3A_15 = tpu.memref_slice %arg8[%dma_start3A_14] : memref<10240xf32, #tpu.memory_space<vmem_shared>> -> memref<10240xf32, #tpu.memory_space<vmem_shared>>
        tpu.enqueue_indirect_dma source(%arg7 : memref<128xf32, #tpu.memory_space<vmem>>) target(%dma_start3A_15 : memref<10240xf32, #tpu.memory_space<vmem_shared>>) offsets(%dma_start3A_13 : memref<128xi32, #tpu.memory_space<vmem>>) semaphore(%run_scoped3A : memref<!tpu.dma_semaphore, #tpu.memory_space<semaphore_mem>>) {add = true}
        %dma_wait3A = arith.constant 0 : i32
        %dma_wait3A_16 = tpu.memref_slice %arg6[%scan3A_11, %dma_wait3A] : memref<40x128xi32, #tpu.memory_space<vmem>> -> memref<1x128xi32, #tpu.memory_space<vmem>>
        %dma_wait3A_17 = tpu.memref_squeeze %dma_wait3A_16 : memref<1x128xi32, #tpu.memory_space<vmem>> -> memref<128xi32, #tpu.memory_space<vmem>>
        %dma_wait3A_18 = arith.constant 0 : i32
        %dma_wait3A_19 = tpu.memref_slice %arg8[%dma_wait3A_18] : memref<10240xf32, #tpu.memory_space<vmem_shared>> -> memref<10240xf32, #tpu.memory_space<vmem_shared>>
        tpu.wait_indirect_dma semaphore(%run_scoped3A : memref<!tpu.dma_semaphore, #tpu.memory_space<semaphore_mem>>) src(%arg7 : memref<128xf32, #tpu.memory_space<vmem>>) dst(%dma_wait3A_19 : memref<10240xf32, #tpu.memory_space<vmem_shared>>)
        tpu.yield
      }) : () -> ()
    }
    %scan3A_9 = arith.constant 40 : i32
    %barrier3A_10 = arith.constant 0 : index
    tpu.barrier barrier_id(%barrier3A_10)
    "tpu.region"() ({
      %run_scoped3A = tpu.sem_alloc : memref<!tpu.dma_semaphore, #tpu.memory_space<semaphore_mem>>
      %dma_start3A = tpu.memref_slice %arg5[%arg0, %mul3A_0] : memref<2x10240xf32, #tpu.memory_space<hbm>> -> memref<1x640xf32, #tpu.memory_space<hbm>>
      %dma_start3A_11 = tpu.memref_squeeze %dma_start3A : memref<1x640xf32, #tpu.memory_space<hbm>> -> memref<640xf32, #tpu.memory_space<hbm>>
      %dma_start3A_12 = tpu.memref_slice %arg8[%mul3A_0] : memref<10240xf32, #tpu.memory_space<vmem_shared>> -> memref<640xf32, #tpu.memory_space<vmem_shared>>
      tpu.enqueue_dma source(%dma_start3A_12 : memref<640xf32, #tpu.memory_space<vmem_shared>>) target(%dma_start3A_11 : memref<640xf32, #tpu.memory_space<hbm>>) target_semaphore(%run_scoped3A : memref<!tpu.dma_semaphore, #tpu.memory_space<semaphore_mem>>)
      %dma_wait3A = tpu.memref_slice %arg5[%arg0, %mul3A_0] : memref<2x10240xf32, #tpu.memory_space<hbm>> -> memref<1x640xf32, #tpu.memory_space<hbm>>
      %dma_wait3A_13 = tpu.memref_squeeze %dma_wait3A : memref<1x640xf32, #tpu.memory_space<hbm>> -> memref<640xf32, #tpu.memory_space<hbm>>
      %dma_wait3A_14 = tpu.memref_slice %arg8[%mul3A_0] : memref<10240xf32, #tpu.memory_space<vmem_shared>> -> memref<640xf32, #tpu.memory_space<vmem_shared>>
      tpu.wait_dma2 semaphore(%run_scoped3A : memref<!tpu.dma_semaphore, #tpu.memory_space<semaphore_mem>>) src(%dma_wait3A_14 : memref<640xf32, #tpu.memory_space<vmem_shared>>) dst(%dma_wait3A_13 : memref<640xf32, #tpu.memory_space<hbm>>)
      tpu.yield
    }) : () -> ()
    return
  }
}

#map = affine_map<(d0, d1) -> (0, 0, 0)>
#map1 = affine_map<(d0, d1) -> (0, 0)>
module attributes {stable_mosaic.version = 14 : i64} {
  func.func @_agg_body(%arg0: i32, %arg1: i32, %arg2: memref<2x1280x128xi32, #tpu.memory_space<hbm>>, %arg3: memref<20000x128xf32, #tpu.memory_space<hbm>>, %arg4: memref<640x128xf32, #tpu.memory_space<hbm>>, %arg5: memref<2x10240x128xf32, #tpu.memory_space<hbm>>, %arg6: memref<80x128xi32, #tpu.memory_space<vmem>>, %arg7: memref<2x128xi32, #tpu.memory_space<vmem>>, %arg8: memref<2x128xi32, #tpu.memory_space<vmem>>, %arg9: memref<2x128x128xf32, #tpu.memory_space<vmem>>, %arg10: memref<10240x128xf32, #tpu.memory_space<vmem_shared>>, %arg11: memref<2x4x!tpu.dma_semaphore, #tpu.memory_space<semaphore_mem>>) attributes {dimension_semantics = [#tpu.dimension_semantics<core_parallel>, #tpu.dimension_semantics<subcore_parallel>], iteration_bounds = array<i64: 2, 16>, scalar_prefetch = 0 : i64, scratch_operands = 6 : i64, tpu.core_type = #tpu.core_type<sc_vector_subcore>, window_params = [{transform_indices = #map}, {transform_indices = #map1}, {transform_indices = #map1}, {transform_indices = #map}]} {
    %mul3A = arith.constant 640 : i32
    %mul3A_0 = arith.muli %arg1, %mul3A : i32
    "tpu.region"() ({
      %run_scoped3A = tpu.sem_alloc : memref<!tpu.dma_semaphore, #tpu.memory_space<semaphore_mem>>
      %dma_start3A_404 = arith.constant 0 : i32
      %dma_start3A_405 = tpu.memref_slice %arg10[%mul3A_0, %dma_start3A_404] : memref<10240x128xf32, #tpu.memory_space<vmem_shared>> -> memref<640x128xf32, #tpu.memory_space<vmem_shared>>
      tpu.enqueue_dma source(%arg4 : memref<640x128xf32, #tpu.memory_space<hbm>>) target(%dma_start3A_405 : memref<640x128xf32, #tpu.memory_space<vmem_shared>>) target_semaphore(%run_scoped3A : memref<!tpu.dma_semaphore, #tpu.memory_space<semaphore_mem>>)
      %dma_wait3A = arith.constant 0 : i32
      %dma_wait3A_406 = tpu.memref_slice %arg10[%mul3A_0, %dma_wait3A] : memref<10240x128xf32, #tpu.memory_space<vmem_shared>> -> memref<640x128xf32, #tpu.memory_space<vmem_shared>>
      tpu.wait_dma2 semaphore(%run_scoped3A : memref<!tpu.dma_semaphore, #tpu.memory_space<semaphore_mem>>) src(%arg4 : memref<640x128xf32, #tpu.memory_space<hbm>>) dst(%dma_wait3A_406 : memref<640x128xf32, #tpu.memory_space<vmem_shared>>)
      tpu.yield
    }) : () -> ()
    %mul3A_1 = arith.constant 80 : i32
    %mul3A_2 = arith.muli %arg1, %mul3A_1 : i32
    "tpu.region"() ({
      %run_scoped3A = tpu.sem_alloc : memref<!tpu.dma_semaphore, #tpu.memory_space<semaphore_mem>>
      %dma_start3A_404 = arith.constant 0 : i32
      %dma_start3A_405 = tpu.memref_slice %arg2[%arg0, %mul3A_2, %dma_start3A_404] : memref<2x1280x128xi32, #tpu.memory_space<hbm>> -> memref<1x80x128xi32, #tpu.memory_space<hbm>>
      %dma_start3A_406 = tpu.memref_squeeze %dma_start3A_405 : memref<1x80x128xi32, #tpu.memory_space<hbm>> -> memref<80x128xi32, #tpu.memory_space<hbm>>
      %dma_start3A_407 = arith.constant 0 : i32
      %dma_start3A_408 = tpu.memref_slice %arg2[%arg0, %mul3A_2, %dma_start3A_407] : memref<2x1280x128xi32, #tpu.memory_space<hbm>> -> memref<1x80x128xi32, #tpu.memory_space<hbm>>
      %dma_start3A_409 = tpu.memref_squeeze %dma_start3A_408 : memref<1x80x128xi32, #tpu.memory_space<hbm>> -> memref<80x128xi32, #tpu.memory_space<hbm>>
      tpu.enqueue_dma source(%dma_start3A_409 : memref<80x128xi32, #tpu.memory_space<hbm>>) target(%arg6 : memref<80x128xi32, #tpu.memory_space<vmem>>) target_semaphore(%run_scoped3A : memref<!tpu.dma_semaphore, #tpu.memory_space<semaphore_mem>>)
      %dma_wait3A = arith.constant 0 : i32
      %dma_wait3A_410 = tpu.memref_slice %arg2[%arg0, %mul3A_2, %dma_wait3A] : memref<2x1280x128xi32, #tpu.memory_space<hbm>> -> memref<1x80x128xi32, #tpu.memory_space<hbm>>
      %dma_wait3A_411 = tpu.memref_squeeze %dma_wait3A_410 : memref<1x80x128xi32, #tpu.memory_space<hbm>> -> memref<80x128xi32, #tpu.memory_space<hbm>>
      %dma_wait3A_412 = arith.constant 0 : i32
      %dma_wait3A_413 = tpu.memref_slice %arg2[%arg0, %mul3A_2, %dma_wait3A_412] : memref<2x1280x128xi32, #tpu.memory_space<hbm>> -> memref<1x80x128xi32, #tpu.memory_space<hbm>>
      %dma_wait3A_414 = tpu.memref_squeeze %dma_wait3A_413 : memref<1x80x128xi32, #tpu.memory_space<hbm>> -> memref<80x128xi32, #tpu.memory_space<hbm>>
      tpu.wait_dma2 semaphore(%run_scoped3A : memref<!tpu.dma_semaphore, #tpu.memory_space<semaphore_mem>>) src(%dma_wait3A_414 : memref<80x128xi32, #tpu.memory_space<hbm>>) dst(%arg6 : memref<80x128xi32, #tpu.memory_space<vmem>>)
      tpu.yield
    }) : () -> ()
    %barrier3A = arith.constant 0 : index
    tpu.barrier barrier_id(%barrier3A)
    %get3A = arith.constant 0 : i32
    %get3A_3 = arith.index_cast %get3A : i32 to index
    %get3A_4 = arith.constant 0 : index
    %get3A_5 = tpu.vector_load %arg6[%get3A_3, %get3A_4] {strides = array<i32>} : memref<80x128xi32, #tpu.memory_space<vmem>>, vector<1x16xi32>,
    %get3A_6 = vector.shape_cast %get3A_5 : vector<1x16xi32> to vector<16xi32>
    %and3A = arith.constant 65535 : i32
    %and3A_7 = vector.broadcast %and3A : i32 to vector<16xi32>
    %and3A_8 = arith.andi %get3A_6, %and3A_7 : vector<16xi32>
    %swap3A = arith.constant 0 : i32
    %swap3A_9 = arith.index_cast %swap3A : i32 to index
    %swap3A_10 = arith.constant 0 : index
    %swap3A_11 = tpu.vector_load %arg7[%swap3A_9, %swap3A_10] {strides = array<i32>} : memref<2x128xi32, #tpu.memory_space<vmem>>, vector<1x16xi32>,
    %swap3A_12 = vector.shape_cast %swap3A_11 : vector<1x16xi32> to vector<16xi32>
    %swap3A_13 = vector.shape_cast %and3A_8 : vector<16xi32> to vector<1x16xi32>
    tpu.vector_store %arg7[%swap3A_9, %swap3A_10], %swap3A_13 {strides = array<i32>} : memref<2x128xi32, #tpu.memory_space<vmem>>, vector<1x16xi32>,
    %shift_right_logical3A = arith.constant 16 : i32
    %shift_right_logical3A_14 = vector.broadcast %shift_right_logical3A : i32 to vector<16xi32>
    %shift_right_logical3A_15 = arith.shrui %get3A_6, %shift_right_logical3A_14 : vector<16xi32>
    %swap3A_16 = arith.constant 0 : i32
    %swap3A_17 = arith.index_cast %swap3A_16 : i32 to index
    %swap3A_18 = arith.constant 0 : index
    %swap3A_19 = tpu.vector_load %arg8[%swap3A_17, %swap3A_18] {strides = array<i32>} : memref<2x128xi32, #tpu.memory_space<vmem>>, vector<1x16xi32>,
    %swap3A_20 = vector.shape_cast %swap3A_19 : vector<1x16xi32> to vector<16xi32>
    %swap3A_21 = vector.shape_cast %shift_right_logical3A_15 : vector<16xi32> to vector<1x16xi32>
    tpu.vector_store %arg8[%swap3A_17, %swap3A_18], %swap3A_21 {strides = array<i32>} : memref<2x128xi32, #tpu.memory_space<vmem>>, vector<1x16xi32>,
    %get3A_22 = arith.constant 0 : i32
    %get3A_23 = arith.index_cast %get3A_22 : i32 to index
    %get3A_24 = arith.constant 16 : index
    %get3A_25 = tpu.vector_load %arg6[%get3A_23, %get3A_24] {strides = array<i32>} : memref<80x128xi32, #tpu.memory_space<vmem>>, vector<1x16xi32>,
    %get3A_26 = vector.shape_cast %get3A_25 : vector<1x16xi32> to vector<16xi32>
    %and3A_27 = arith.constant 65535 : i32
    %and3A_28 = vector.broadcast %and3A_27 : i32 to vector<16xi32>
    %and3A_29 = arith.andi %get3A_26, %and3A_28 : vector<16xi32>
    %swap3A_30 = arith.constant 0 : i32
    %swap3A_31 = arith.index_cast %swap3A_30 : i32 to index
    %swap3A_32 = arith.constant 16 : index
    %swap3A_33 = tpu.vector_load %arg7[%swap3A_31, %swap3A_32] {strides = array<i32>} : memref<2x128xi32, #tpu.memory_space<vmem>>, vector<1x16xi32>,
    %swap3A_34 = vector.shape_cast %swap3A_33 : vector<1x16xi32> to vector<16xi32>
    %swap3A_35 = vector.shape_cast %and3A_29 : vector<16xi32> to vector<1x16xi32>
    tpu.vector_store %arg7[%swap3A_31, %swap3A_32], %swap3A_35 {strides = array<i32>} : memref<2x128xi32, #tpu.memory_space<vmem>>, vector<1x16xi32>,
    %shift_right_logical3A_36 = arith.constant 16 : i32
    %shift_right_logical3A_37 = vector.broadcast %shift_right_logical3A_36 : i32 to vector<16xi32>
    %shift_right_logical3A_38 = arith.shrui %get3A_26, %shift_right_logical3A_37 : vector<16xi32>
    %swap3A_39 = arith.constant 0 : i32
    %swap3A_40 = arith.index_cast %swap3A_39 : i32 to index
    %swap3A_41 = arith.constant 16 : index
    %swap3A_42 = tpu.vector_load %arg8[%swap3A_40, %swap3A_41] {strides = array<i32>} : memref<2x128xi32, #tpu.memory_space<vmem>>, vector<1x16xi32>,
    %swap3A_43 = vector.shape_cast %swap3A_42 : vector<1x16xi32> to vector<16xi32>
    %swap3A_44 = vector.shape_cast %shift_right_logical3A_38 : vector<16xi32> to vector<1x16xi32>
    tpu.vector_store %arg8[%swap3A_40, %swap3A_41], %swap3A_44 {strides = array<i32>} : memref<2x128xi32, #tpu.memory_space<vmem>>, vector<1x16xi32>,
    %get3A_45 = arith.constant 0 : i32
    %get3A_46 = arith.index_cast %get3A_45 : i32 to index
    %get3A_47 = arith.constant 32 : index
    %get3A_48 = tpu.vector_load %arg6[%get3A_46, %get3A_47] {strides = array<i32>} : memref<80x128xi32, #tpu.memory_space<vmem>>, vector<1x16xi32>,
    %get3A_49 = vector.shape_cast %get3A_48 : vector<1x16xi32> to vector<16xi32>
    %and3A_50 = arith.constant 65535 : i32
    %and3A_51 = vector.broadcast %and3A_50 : i32 to vector<16xi32>
    %and3A_52 = arith.andi %get3A_49, %and3A_51 : vector<16xi32>
    %swap3A_53 = arith.constant 0 : i32
    %swap3A_54 = arith.index_cast %swap3A_53 : i32 to index
    %swap3A_55 = arith.constant 32 : index
    %swap3A_56 = tpu.vector_load %arg7[%swap3A_54, %swap3A_55] {strides = array<i32>} : memref<2x128xi32, #tpu.memory_space<vmem>>, vector<1x16xi32>,
    %swap3A_57 = vector.shape_cast %swap3A_56 : vector<1x16xi32> to vector<16xi32>
    %swap3A_58 = vector.shape_cast %and3A_52 : vector<16xi32> to vector<1x16xi32>
    tpu.vector_store %arg7[%swap3A_54, %swap3A_55], %swap3A_58 {strides = array<i32>} : memref<2x128xi32, #tpu.memory_space<vmem>>, vector<1x16xi32>,
    %shift_right_logical3A_59 = arith.constant 16 : i32
    %shift_right_logical3A_60 = vector.broadcast %shift_right_logical3A_59 : i32 to vector<16xi32>
    %shift_right_logical3A_61 = arith.shrui %get3A_49, %shift_right_logical3A_60 : vector<16xi32>
    %swap3A_62 = arith.constant 0 : i32
    %swap3A_63 = arith.index_cast %swap3A_62 : i32 to index
    %swap3A_64 = arith.constant 32 : index
    %swap3A_65 = tpu.vector_load %arg8[%swap3A_63, %swap3A_64] {strides = array<i32>} : memref<2x128xi32, #tpu.memory_space<vmem>>, vector<1x16xi32>,
    %swap3A_66 = vector.shape_cast %swap3A_65 : vector<1x16xi32> to vector<16xi32>
    %swap3A_67 = vector.shape_cast %shift_right_logical3A_61 : vector<16xi32> to vector<1x16xi32>
    tpu.vector_store %arg8[%swap3A_63, %swap3A_64], %swap3A_67 {strides = array<i32>} : memref<2x128xi32, #tpu.memory_space<vmem>>, vector<1x16xi32>,
    %get3A_68 = arith.constant 0 : i32
    %get3A_69 = arith.index_cast %get3A_68 : i32 to index
    %get3A_70 = arith.constant 48 : index
    %get3A_71 = tpu.vector_load %arg6[%get3A_69, %get3A_70] {strides = array<i32>} : memref<80x128xi32, #tpu.memory_space<vmem>>, vector<1x16xi32>,
    %get3A_72 = vector.shape_cast %get3A_71 : vector<1x16xi32> to vector<16xi32>
    %and3A_73 = arith.constant 65535 : i32
    %and3A_74 = vector.broadcast %and3A_73 : i32 to vector<16xi32>
    %and3A_75 = arith.andi %get3A_72, %and3A_74 : vector<16xi32>
    %swap3A_76 = arith.constant 0 : i32
    %swap3A_77 = arith.index_cast %swap3A_76 : i32 to index
    %swap3A_78 = arith.constant 48 : index
    %swap3A_79 = tpu.vector_load %arg7[%swap3A_77, %swap3A_78] {strides = array<i32>} : memref<2x128xi32, #tpu.memory_space<vmem>>, vector<1x16xi32>,
    %swap3A_80 = vector.shape_cast %swap3A_79 : vector<1x16xi32> to vector<16xi32>
    %swap3A_81 = vector.shape_cast %and3A_75 : vector<16xi32> to vector<1x16xi32>
    tpu.vector_store %arg7[%swap3A_77, %swap3A_78], %swap3A_81 {strides = array<i32>} : memref<2x128xi32, #tpu.memory_space<vmem>>, vector<1x16xi32>,
    %shift_right_logical3A_82 = arith.constant 16 : i32
    %shift_right_logical3A_83 = vector.broadcast %shift_right_logical3A_82 : i32 to vector<16xi32>
    %shift_right_logical3A_84 = arith.shrui %get3A_72, %shift_right_logical3A_83 : vector<16xi32>
    %swap3A_85 = arith.constant 0 : i32
    %swap3A_86 = arith.index_cast %swap3A_85 : i32 to index
    %swap3A_87 = arith.constant 48 : index
    %swap3A_88 = tpu.vector_load %arg8[%swap3A_86, %swap3A_87] {strides = array<i32>} : memref<2x128xi32, #tpu.memory_space<vmem>>, vector<1x16xi32>,
    %swap3A_89 = vector.shape_cast %swap3A_88 : vector<1x16xi32> to vector<16xi32>
    %swap3A_90 = vector.shape_cast %shift_right_logical3A_84 : vector<16xi32> to vector<1x16xi32>
    tpu.vector_store %arg8[%swap3A_86, %swap3A_87], %swap3A_90 {strides = array<i32>} : memref<2x128xi32, #tpu.memory_space<vmem>>, vector<1x16xi32>,
    %get3A_91 = arith.constant 0 : i32
    %get3A_92 = arith.index_cast %get3A_91 : i32 to index
    %get3A_93 = arith.constant 64 : index
    %get3A_94 = tpu.vector_load %arg6[%get3A_92, %get3A_93] {strides = array<i32>} : memref<80x128xi32, #tpu.memory_space<vmem>>, vector<1x16xi32>,
    %get3A_95 = vector.shape_cast %get3A_94 : vector<1x16xi32> to vector<16xi32>
    %and3A_96 = arith.constant 65535 : i32
    %and3A_97 = vector.broadcast %and3A_96 : i32 to vector<16xi32>
    %and3A_98 = arith.andi %get3A_95, %and3A_97 : vector<16xi32>
    %swap3A_99 = arith.constant 0 : i32
    %swap3A_100 = arith.index_cast %swap3A_99 : i32 to index
    %swap3A_101 = arith.constant 64 : index
    %swap3A_102 = tpu.vector_load %arg7[%swap3A_100, %swap3A_101] {strides = array<i32>} : memref<2x128xi32, #tpu.memory_space<vmem>>, vector<1x16xi32>,
    %swap3A_103 = vector.shape_cast %swap3A_102 : vector<1x16xi32> to vector<16xi32>
    %swap3A_104 = vector.shape_cast %and3A_98 : vector<16xi32> to vector<1x16xi32>
    tpu.vector_store %arg7[%swap3A_100, %swap3A_101], %swap3A_104 {strides = array<i32>} : memref<2x128xi32, #tpu.memory_space<vmem>>, vector<1x16xi32>,
    %shift_right_logical3A_105 = arith.constant 16 : i32
    %shift_right_logical3A_106 = vector.broadcast %shift_right_logical3A_105 : i32 to vector<16xi32>
    %shift_right_logical3A_107 = arith.shrui %get3A_95, %shift_right_logical3A_106 : vector<16xi32>
    %swap3A_108 = arith.constant 0 : i32
    %swap3A_109 = arith.index_cast %swap3A_108 : i32 to index
    %swap3A_110 = arith.constant 64 : index
    %swap3A_111 = tpu.vector_load %arg8[%swap3A_109, %swap3A_110] {strides = array<i32>} : memref<2x128xi32, #tpu.memory_space<vmem>>, vector<1x16xi32>,
    %swap3A_112 = vector.shape_cast %swap3A_111 : vector<1x16xi32> to vector<16xi32>
    %swap3A_113 = vector.shape_cast %shift_right_logical3A_107 : vector<16xi32> to vector<1x16xi32>
    tpu.vector_store %arg8[%swap3A_109, %swap3A_110], %swap3A_113 {strides = array<i32>} : memref<2x128xi32, #tpu.memory_space<vmem>>, vector<1x16xi32>,
    %get3A_114 = arith.constant 0 : i32
    %get3A_115 = arith.index_cast %get3A_114 : i32 to index
    %get3A_116 = arith.constant 80 : index
    %get3A_117 = tpu.vector_load %arg6[%get3A_115, %get3A_116] {strides = array<i32>} : memref<80x128xi32, #tpu.memory_space<vmem>>, vector<1x16xi32>,
    %get3A_118 = vector.shape_cast %get3A_117 : vector<1x16xi32> to vector<16xi32>
    %and3A_119 = arith.constant 65535 : i32
    %and3A_120 = vector.broadcast %and3A_119 : i32 to vector<16xi32>
    %and3A_121 = arith.andi %get3A_118, %and3A_120 : vector<16xi32>
    %swap3A_122 = arith.constant 0 : i32
    %swap3A_123 = arith.index_cast %swap3A_122 : i32 to index
    %swap3A_124 = arith.constant 80 : index
    %swap3A_125 = tpu.vector_load %arg7[%swap3A_123, %swap3A_124] {strides = array<i32>} : memref<2x128xi32, #tpu.memory_space<vmem>>, vector<1x16xi32>,
    %swap3A_126 = vector.shape_cast %swap3A_125 : vector<1x16xi32> to vector<16xi32>
    %swap3A_127 = vector.shape_cast %and3A_121 : vector<16xi32> to vector<1x16xi32>
    tpu.vector_store %arg7[%swap3A_123, %swap3A_124], %swap3A_127 {strides = array<i32>} : memref<2x128xi32, #tpu.memory_space<vmem>>, vector<1x16xi32>,
    %shift_right_logical3A_128 = arith.constant 16 : i32
    %shift_right_logical3A_129 = vector.broadcast %shift_right_logical3A_128 : i32 to vector<16xi32>
    %shift_right_logical3A_130 = arith.shrui %get3A_118, %shift_right_logical3A_129 : vector<16xi32>
    %swap3A_131 = arith.constant 0 : i32
    %swap3A_132 = arith.index_cast %swap3A_131 : i32 to index
    %swap3A_133 = arith.constant 80 : index
    %swap3A_134 = tpu.vector_load %arg8[%swap3A_132, %swap3A_133] {strides = array<i32>} : memref<2x128xi32, #tpu.memory_space<vmem>>, vector<1x16xi32>,
    %swap3A_135 = vector.shape_cast %swap3A_134 : vector<1x16xi32> to vector<16xi32>
    %swap3A_136 = vector.shape_cast %shift_right_logical3A_130 : vector<16xi32> to vector<1x16xi32>
    tpu.vector_store %arg8[%swap3A_132, %swap3A_133], %swap3A_136 {strides = array<i32>} : memref<2x128xi32, #tpu.memory_space<vmem>>, vector<1x16xi32>,
    %get3A_137 = arith.constant 0 : i32
    %get3A_138 = arith.index_cast %get3A_137 : i32 to index
    %get3A_139 = arith.constant 96 : index
    %get3A_140 = tpu.vector_load %arg6[%get3A_138, %get3A_139] {strides = array<i32>} : memref<80x128xi32, #tpu.memory_space<vmem>>, vector<1x16xi32>,
    %get3A_141 = vector.shape_cast %get3A_140 : vector<1x16xi32> to vector<16xi32>
    %and3A_142 = arith.constant 65535 : i32
    %and3A_143 = vector.broadcast %and3A_142 : i32 to vector<16xi32>
    %and3A_144 = arith.andi %get3A_141, %and3A_143 : vector<16xi32>
    %swap3A_145 = arith.constant 0 : i32
    %swap3A_146 = arith.index_cast %swap3A_145 : i32 to index
    %swap3A_147 = arith.constant 96 : index
    %swap3A_148 = tpu.vector_load %arg7[%swap3A_146, %swap3A_147] {strides = array<i32>} : memref<2x128xi32, #tpu.memory_space<vmem>>, vector<1x16xi32>,
    %swap3A_149 = vector.shape_cast %swap3A_148 : vector<1x16xi32> to vector<16xi32>
    %swap3A_150 = vector.shape_cast %and3A_144 : vector<16xi32> to vector<1x16xi32>
    tpu.vector_store %arg7[%swap3A_146, %swap3A_147], %swap3A_150 {strides = array<i32>} : memref<2x128xi32, #tpu.memory_space<vmem>>, vector<1x16xi32>,
    %shift_right_logical3A_151 = arith.constant 16 : i32
    %shift_right_logical3A_152 = vector.broadcast %shift_right_logical3A_151 : i32 to vector<16xi32>
    %shift_right_logical3A_153 = arith.shrui %get3A_141, %shift_right_logical3A_152 : vector<16xi32>
    %swap3A_154 = arith.constant 0 : i32
    %swap3A_155 = arith.index_cast %swap3A_154 : i32 to index
    %swap3A_156 = arith.constant 96 : index
    %swap3A_157 = tpu.vector_load %arg8[%swap3A_155, %swap3A_156] {strides = array<i32>} : memref<2x128xi32, #tpu.memory_space<vmem>>, vector<1x16xi32>,
    %swap3A_158 = vector.shape_cast %swap3A_157 : vector<1x16xi32> to vector<16xi32>
    %swap3A_159 = vector.shape_cast %shift_right_logical3A_153 : vector<16xi32> to vector<1x16xi32>
    tpu.vector_store %arg8[%swap3A_155, %swap3A_156], %swap3A_159 {strides = array<i32>} : memref<2x128xi32, #tpu.memory_space<vmem>>, vector<1x16xi32>,
    %get3A_160 = arith.constant 0 : i32
    %get3A_161 = arith.index_cast %get3A_160 : i32 to index
    %get3A_162 = arith.constant 112 : index
    %get3A_163 = tpu.vector_load %arg6[%get3A_161, %get3A_162] {strides = array<i32>} : memref<80x128xi32, #tpu.memory_space<vmem>>, vector<1x16xi32>,
    %get3A_164 = vector.shape_cast %get3A_163 : vector<1x16xi32> to vector<16xi32>
    %and3A_165 = arith.constant 65535 : i32
    %and3A_166 = vector.broadcast %and3A_165 : i32 to vector<16xi32>
    %and3A_167 = arith.andi %get3A_164, %and3A_166 : vector<16xi32>
    %swap3A_168 = arith.constant 0 : i32
    %swap3A_169 = arith.index_cast %swap3A_168 : i32 to index
    %swap3A_170 = arith.constant 112 : index
    %swap3A_171 = tpu.vector_load %arg7[%swap3A_169, %swap3A_170] {strides = array<i32>} : memref<2x128xi32, #tpu.memory_space<vmem>>, vector<1x16xi32>,
    %swap3A_172 = vector.shape_cast %swap3A_171 : vector<1x16xi32> to vector<16xi32>
    %swap3A_173 = vector.shape_cast %and3A_167 : vector<16xi32> to vector<1x16xi32>
    tpu.vector_store %arg7[%swap3A_169, %swap3A_170], %swap3A_173 {strides = array<i32>} : memref<2x128xi32, #tpu.memory_space<vmem>>, vector<1x16xi32>,
    %shift_right_logical3A_174 = arith.constant 16 : i32
    %shift_right_logical3A_175 = vector.broadcast %shift_right_logical3A_174 : i32 to vector<16xi32>
    %shift_right_logical3A_176 = arith.shrui %get3A_164, %shift_right_logical3A_175 : vector<16xi32>
    %swap3A_177 = arith.constant 0 : i32
    %swap3A_178 = arith.index_cast %swap3A_177 : i32 to index
    %swap3A_179 = arith.constant 112 : index
    %swap3A_180 = tpu.vector_load %arg8[%swap3A_178, %swap3A_179] {strides = array<i32>} : memref<2x128xi32, #tpu.memory_space<vmem>>, vector<1x16xi32>,
    %swap3A_181 = vector.shape_cast %swap3A_180 : vector<1x16xi32> to vector<16xi32>
    %swap3A_182 = vector.shape_cast %shift_right_logical3A_176 : vector<16xi32> to vector<1x16xi32>
    tpu.vector_store %arg8[%swap3A_178, %swap3A_179], %swap3A_182 {strides = array<i32>} : memref<2x128xi32, #tpu.memory_space<vmem>>, vector<1x16xi32>,
    %dma_start3A = arith.constant 0 : i32
    %dma_start3A_183 = arith.constant 0 : i32
    %dma_start3A_184 = arith.constant 0 : i32
    %dma_start3A_185 = arith.constant 0 : i32
    %dma_start3A_186 = arith.constant 0 : i32
    %dma_start3A_187 = arith.constant 0 : i32
    %dma_start3A_188 = tpu.memref_slice %arg9[%dma_start3A_183, %dma_start3A_186, %dma_start3A_187] : memref<2x128x128xf32, #tpu.memory_space<vmem>> -> memref<1x128x128xf32, #tpu.memory_space<vmem>>
    %dma_start3A_189 = tpu.memref_squeeze %dma_start3A_188 : memref<1x128x128xf32, #tpu.memory_space<vmem>> -> memref<128x128xf32, #tpu.memory_space<vmem>>
    %dma_start3A_190 = arith.constant 0 : i32
    %dma_start3A_191 = tpu.memref_slice %arg7[%dma_start3A, %dma_start3A_190] : memref<2x128xi32, #tpu.memory_space<vmem>> -> memref<1x128xi32, #tpu.memory_space<vmem>>
    %dma_start3A_192 = tpu.memref_squeeze %dma_start3A_191 : memref<1x128xi32, #tpu.memory_space<vmem>> -> memref<128xi32, #tpu.memory_space<vmem>>
    %dma_start3A_193 = arith.constant 0 : i32
    %dma_start3A_194 = arith.constant 0 : i32
    %dma_start3A_195 = tpu.memref_slice %arg3[%dma_start3A_193, %dma_start3A_194] : memref<20000x128xf32, #tpu.memory_space<hbm>> -> memref<20000x128xf32, #tpu.memory_space<hbm>>
    %dma_start3A_196 = tpu.memref_slice %arg11[%dma_start3A_184, %dma_start3A_185] : memref<2x4x!tpu.dma_semaphore, #tpu.memory_space<semaphore_mem>> -> memref<1x1x!tpu.dma_semaphore, #tpu.memory_space<semaphore_mem>>
    %dma_start3A_197 = tpu.memref_squeeze %dma_start3A_196 : memref<1x1x!tpu.dma_semaphore, #tpu.memory_space<semaphore_mem>> -> memref<!tpu.dma_semaphore, #tpu.memory_space<semaphore_mem>>
    tpu.enqueue_indirect_dma source(%dma_start3A_195 : memref<20000x128xf32, #tpu.memory_space<hbm>>) target(%dma_start3A_189 : memref<128x128xf32, #tpu.memory_space<vmem>>) offsets(%dma_start3A_192 : memref<128xi32, #tpu.memory_space<vmem>>) semaphore(%dma_start3A_197 : memref<!tpu.dma_semaphore, #tpu.memory_space<semaphore_mem>>)
    %get3A_198 = arith.constant 1 : i32
    %get3A_199 = arith.index_cast %get3A_198 : i32 to index
    %get3A_200 = arith.constant 0 : index
    %get3A_201 = tpu.vector_load %arg6[%get3A_199, %get3A_200] {strides = array<i32>} : memref<80x128xi32, #tpu.memory_space<vmem>>, vector<1x16xi32>,
    %get3A_202 = vector.shape_cast %get3A_201 : vector<1x16xi32> to vector<16xi32>
    %and3A_203 = arith.constant 65535 : i32
    %and3A_204 = vector.broadcast %and3A_203 : i32 to vector<16xi32>
    %and3A_205 = arith.andi %get3A_202, %and3A_204 : vector<16xi32>
    %swap3A_206 = arith.constant 1 : i32
    %swap3A_207 = arith.index_cast %swap3A_206 : i32 to index
    %swap3A_208 = arith.constant 0 : index
    %swap3A_209 = tpu.vector_load %arg7[%swap3A_207, %swap3A_208] {strides = array<i32>} : memref<2x128xi32, #tpu.memory_space<vmem>>, vector<1x16xi32>,
    %swap3A_210 = vector.shape_cast %swap3A_209 : vector<1x16xi32> to vector<16xi32>
    %swap3A_211 = vector.shape_cast %and3A_205 : vector<16xi32> to vector<1x16xi32>
    tpu.vector_store %arg7[%swap3A_207, %swap3A_208], %swap3A_211 {strides = array<i32>} : memref<2x128xi32, #tpu.memory_space<vmem>>, vector<1x16xi32>,
    %shift_right_logical3A_212 = arith.constant 16 : i32
    %shift_right_logical3A_213 = vector.broadcast %shift_right_logical3A_212 : i32 to vector<16xi32>
    %shift_right_logical3A_214 = arith.shrui %get3A_202, %shift_right_logical3A_213 : vector<16xi32>
    %swap3A_215 = arith.constant 1 : i32
    %swap3A_216 = arith.index_cast %swap3A_215 : i32 to index
    %swap3A_217 = arith.constant 0 : index
    %swap3A_218 = tpu.vector_load %arg8[%swap3A_216, %swap3A_217] {strides = array<i32>} : memref<2x128xi32, #tpu.memory_space<vmem>>, vector<1x16xi32>,
    %swap3A_219 = vector.shape_cast %swap3A_218 : vector<1x16xi32> to vector<16xi32>
    %swap3A_220 = vector.shape_cast %shift_right_logical3A_214 : vector<16xi32> to vector<1x16xi32>
    tpu.vector_store %arg8[%swap3A_216, %swap3A_217], %swap3A_220 {strides = array<i32>} : memref<2x128xi32, #tpu.memory_space<vmem>>, vector<1x16xi32>,
    %get3A_221 = arith.constant 1 : i32
    %get3A_222 = arith.index_cast %get3A_221 : i32 to index
    %get3A_223 = arith.constant 16 : index
    %get3A_224 = tpu.vector_load %arg6[%get3A_222, %get3A_223] {strides = array<i32>} : memref<80x128xi32, #tpu.memory_space<vmem>>, vector<1x16xi32>,
    %get3A_225 = vector.shape_cast %get3A_224 : vector<1x16xi32> to vector<16xi32>
    %and3A_226 = arith.constant 65535 : i32
    %and3A_227 = vector.broadcast %and3A_226 : i32 to vector<16xi32>
    %and3A_228 = arith.andi %get3A_225, %and3A_227 : vector<16xi32>
    %swap3A_229 = arith.constant 1 : i32
    %swap3A_230 = arith.index_cast %swap3A_229 : i32 to index
    %swap3A_231 = arith.constant 16 : index
    %swap3A_232 = tpu.vector_load %arg7[%swap3A_230, %swap3A_231] {strides = array<i32>} : memref<2x128xi32, #tpu.memory_space<vmem>>, vector<1x16xi32>,
    %swap3A_233 = vector.shape_cast %swap3A_232 : vector<1x16xi32> to vector<16xi32>
    %swap3A_234 = vector.shape_cast %and3A_228 : vector<16xi32> to vector<1x16xi32>
    tpu.vector_store %arg7[%swap3A_230, %swap3A_231], %swap3A_234 {strides = array<i32>} : memref<2x128xi32, #tpu.memory_space<vmem>>, vector<1x16xi32>,
    %shift_right_logical3A_235 = arith.constant 16 : i32
    %shift_right_logical3A_236 = vector.broadcast %shift_right_logical3A_235 : i32 to vector<16xi32>
    %shift_right_logical3A_237 = arith.shrui %get3A_225, %shift_right_logical3A_236 : vector<16xi32>
    %swap3A_238 = arith.constant 1 : i32
    %swap3A_239 = arith.index_cast %swap3A_238 : i32 to index
    %swap3A_240 = arith.constant 16 : index
    %swap3A_241 = tpu.vector_load %arg8[%swap3A_239, %swap3A_240] {strides = array<i32>} : memref<2x128xi32, #tpu.memory_space<vmem>>, vector<1x16xi32>,
    %swap3A_242 = vector.shape_cast %swap3A_241 : vector<1x16xi32> to vector<16xi32>
    %swap3A_243 = vector.shape_cast %shift_right_logical3A_237 : vector<16xi32> to vector<1x16xi32>
    tpu.vector_store %arg8[%swap3A_239, %swap3A_240], %swap3A_243 {strides = array<i32>} : memref<2x128xi32, #tpu.memory_space<vmem>>, vector<1x16xi32>,
    %get3A_244 = arith.constant 1 : i32
    %get3A_245 = arith.index_cast %get3A_244 : i32 to index
    %get3A_246 = arith.constant 32 : index
    %get3A_247 = tpu.vector_load %arg6[%get3A_245, %get3A_246] {strides = array<i32>} : memref<80x128xi32, #tpu.memory_space<vmem>>, vector<1x16xi32>,
    %get3A_248 = vector.shape_cast %get3A_247 : vector<1x16xi32> to vector<16xi32>
    %and3A_249 = arith.constant 65535 : i32
    %and3A_250 = vector.broadcast %and3A_249 : i32 to vector<16xi32>
    %and3A_251 = arith.andi %get3A_248, %and3A_250 : vector<16xi32>
    %swap3A_252 = arith.constant 1 : i32
    %swap3A_253 = arith.index_cast %swap3A_252 : i32 to index
    %swap3A_254 = arith.constant 32 : index
    %swap3A_255 = tpu.vector_load %arg7[%swap3A_253, %swap3A_254] {strides = array<i32>} : memref<2x128xi32, #tpu.memory_space<vmem>>, vector<1x16xi32>,
    %swap3A_256 = vector.shape_cast %swap3A_255 : vector<1x16xi32> to vector<16xi32>
    %swap3A_257 = vector.shape_cast %and3A_251 : vector<16xi32> to vector<1x16xi32>
    tpu.vector_store %arg7[%swap3A_253, %swap3A_254], %swap3A_257 {strides = array<i32>} : memref<2x128xi32, #tpu.memory_space<vmem>>, vector<1x16xi32>,
    %shift_right_logical3A_258 = arith.constant 16 : i32
    %shift_right_logical3A_259 = vector.broadcast %shift_right_logical3A_258 : i32 to vector<16xi32>
    %shift_right_logical3A_260 = arith.shrui %get3A_248, %shift_right_logical3A_259 : vector<16xi32>
    %swap3A_261 = arith.constant 1 : i32
    %swap3A_262 = arith.index_cast %swap3A_261 : i32 to index
    %swap3A_263 = arith.constant 32 : index
    %swap3A_264 = tpu.vector_load %arg8[%swap3A_262, %swap3A_263] {strides = array<i32>} : memref<2x128xi32, #tpu.memory_space<vmem>>, vector<1x16xi32>,
    %swap3A_265 = vector.shape_cast %swap3A_264 : vector<1x16xi32> to vector<16xi32>
    %swap3A_266 = vector.shape_cast %shift_right_logical3A_260 : vector<16xi32> to vector<1x16xi32>
    tpu.vector_store %arg8[%swap3A_262, %swap3A_263], %swap3A_266 {strides = array<i32>} : memref<2x128xi32, #tpu.memory_space<vmem>>, vector<1x16xi32>,
    %get3A_267 = arith.constant 1 : i32
    %get3A_268 = arith.index_cast %get3A_267 : i32 to index
    %get3A_269 = arith.constant 48 : index
    %get3A_270 = tpu.vector_load %arg6[%get3A_268, %get3A_269] {strides = array<i32>} : memref<80x128xi32, #tpu.memory_space<vmem>>, vector<1x16xi32>,
    %get3A_271 = vector.shape_cast %get3A_270 : vector<1x16xi32> to vector<16xi32>
    %and3A_272 = arith.constant 65535 : i32
    %and3A_273 = vector.broadcast %and3A_272 : i32 to vector<16xi32>
    %and3A_274 = arith.andi %get3A_271, %and3A_273 : vector<16xi32>
    %swap3A_275 = arith.constant 1 : i32
    %swap3A_276 = arith.index_cast %swap3A_275 : i32 to index
    %swap3A_277 = arith.constant 48 : index
    %swap3A_278 = tpu.vector_load %arg7[%swap3A_276, %swap3A_277] {strides = array<i32>} : memref<2x128xi32, #tpu.memory_space<vmem>>, vector<1x16xi32>,
    %swap3A_279 = vector.shape_cast %swap3A_278 : vector<1x16xi32> to vector<16xi32>
    %swap3A_280 = vector.shape_cast %and3A_274 : vector<16xi32> to vector<1x16xi32>
    tpu.vector_store %arg7[%swap3A_276, %swap3A_277], %swap3A_280 {strides = array<i32>} : memref<2x128xi32, #tpu.memory_space<vmem>>, vector<1x16xi32>,
    %shift_right_logical3A_281 = arith.constant 16 : i32
    %shift_right_logical3A_282 = vector.broadcast %shift_right_logical3A_281 : i32 to vector<16xi32>
    %shift_right_logical3A_283 = arith.shrui %get3A_271, %shift_right_logical3A_282 : vector<16xi32>
    %swap3A_284 = arith.constant 1 : i32
    %swap3A_285 = arith.index_cast %swap3A_284 : i32 to index
    %swap3A_286 = arith.constant 48 : index
    %swap3A_287 = tpu.vector_load %arg8[%swap3A_285, %swap3A_286] {strides = array<i32>} : memref<2x128xi32, #tpu.memory_space<vmem>>, vector<1x16xi32>,
    %swap3A_288 = vector.shape_cast %swap3A_287 : vector<1x16xi32> to vector<16xi32>
    %swap3A_289 = vector.shape_cast %shift_right_logical3A_283 : vector<16xi32> to vector<1x16xi32>
    tpu.vector_store %arg8[%swap3A_285, %swap3A_286], %swap3A_289 {strides = array<i32>} : memref<2x128xi32, #tpu.memory_space<vmem>>, vector<1x16xi32>,
    %get3A_290 = arith.constant 1 : i32
    %get3A_291 = arith.index_cast %get3A_290 : i32 to index
    %get3A_292 = arith.constant 64 : index
    %get3A_293 = tpu.vector_load %arg6[%get3A_291, %get3A_292] {strides = array<i32>} : memref<80x128xi32, #tpu.memory_space<vmem>>, vector<1x16xi32>,
    %get3A_294 = vector.shape_cast %get3A_293 : vector<1x16xi32> to vector<16xi32>
    %and3A_295 = arith.constant 65535 : i32
    %and3A_296 = vector.broadcast %and3A_295 : i32 to vector<16xi32>
    %and3A_297 = arith.andi %get3A_294, %and3A_296 : vector<16xi32>
    %swap3A_298 = arith.constant 1 : i32
    %swap3A_299 = arith.index_cast %swap3A_298 : i32 to index
    %swap3A_300 = arith.constant 64 : index
    %swap3A_301 = tpu.vector_load %arg7[%swap3A_299, %swap3A_300] {strides = array<i32>} : memref<2x128xi32, #tpu.memory_space<vmem>>, vector<1x16xi32>,
    %swap3A_302 = vector.shape_cast %swap3A_301 : vector<1x16xi32> to vector<16xi32>
    %swap3A_303 = vector.shape_cast %and3A_297 : vector<16xi32> to vector<1x16xi32>
    tpu.vector_store %arg7[%swap3A_299, %swap3A_300], %swap3A_303 {strides = array<i32>} : memref<2x128xi32, #tpu.memory_space<vmem>>, vector<1x16xi32>,
    %shift_right_logical3A_304 = arith.constant 16 : i32
    %shift_right_logical3A_305 = vector.broadcast %shift_right_logical3A_304 : i32 to vector<16xi32>
    %shift_right_logical3A_306 = arith.shrui %get3A_294, %shift_right_logical3A_305 : vector<16xi32>
    %swap3A_307 = arith.constant 1 : i32
    %swap3A_308 = arith.index_cast %swap3A_307 : i32 to index
    %swap3A_309 = arith.constant 64 : index
    %swap3A_310 = tpu.vector_load %arg8[%swap3A_308, %swap3A_309] {strides = array<i32>} : memref<2x128xi32, #tpu.memory_space<vmem>>, vector<1x16xi32>,
    %swap3A_311 = vector.shape_cast %swap3A_310 : vector<1x16xi32> to vector<16xi32>
    %swap3A_312 = vector.shape_cast %shift_right_logical3A_306 : vector<16xi32> to vector<1x16xi32>
    tpu.vector_store %arg8[%swap3A_308, %swap3A_309], %swap3A_312 {strides = array<i32>} : memref<2x128xi32, #tpu.memory_space<vmem>>, vector<1x16xi32>,
    %get3A_313 = arith.constant 1 : i32
    %get3A_314 = arith.index_cast %get3A_313 : i32 to index
    %get3A_315 = arith.constant 80 : index
    %get3A_316 = tpu.vector_load %arg6[%get3A_314, %get3A_315] {strides = array<i32>} : memref<80x128xi32, #tpu.memory_space<vmem>>, vector<1x16xi32>,
    %get3A_317 = vector.shape_cast %get3A_316 : vector<1x16xi32> to vector<16xi32>
    %and3A_318 = arith.constant 65535 : i32
    %and3A_319 = vector.broadcast %and3A_318 : i32 to vector<16xi32>
    %and3A_320 = arith.andi %get3A_317, %and3A_319 : vector<16xi32>
    %swap3A_321 = arith.constant 1 : i32
    %swap3A_322 = arith.index_cast %swap3A_321 : i32 to index
    %swap3A_323 = arith.constant 80 : index
    %swap3A_324 = tpu.vector_load %arg7[%swap3A_322, %swap3A_323] {strides = array<i32>} : memref<2x128xi32, #tpu.memory_space<vmem>>, vector<1x16xi32>,
    %swap3A_325 = vector.shape_cast %swap3A_324 : vector<1x16xi32> to vector<16xi32>
    %swap3A_326 = vector.shape_cast %and3A_320 : vector<16xi32> to vector<1x16xi32>
    tpu.vector_store %arg7[%swap3A_322, %swap3A_323], %swap3A_326 {strides = array<i32>} : memref<2x128xi32, #tpu.memory_space<vmem>>, vector<1x16xi32>,
    %shift_right_logical3A_327 = arith.constant 16 : i32
    %shift_right_logical3A_328 = vector.broadcast %shift_right_logical3A_327 : i32 to vector<16xi32>
    %shift_right_logical3A_329 = arith.shrui %get3A_317, %shift_right_logical3A_328 : vector<16xi32>
    %swap3A_330 = arith.constant 1 : i32
    %swap3A_331 = arith.index_cast %swap3A_330 : i32 to index
    %swap3A_332 = arith.constant 80 : index
    %swap3A_333 = tpu.vector_load %arg8[%swap3A_331, %swap3A_332] {strides = array<i32>} : memref<2x128xi32, #tpu.memory_space<vmem>>, vector<1x16xi32>,
    %swap3A_334 = vector.shape_cast %swap3A_333 : vector<1x16xi32> to vector<16xi32>
    %swap3A_335 = vector.shape_cast %shift_right_logical3A_329 : vector<16xi32> to vector<1x16xi32>
    tpu.vector_store %arg8[%swap3A_331, %swap3A_332], %swap3A_335 {strides = array<i32>} : memref<2x128xi32, #tpu.memory_space<vmem>>, vector<1x16xi32>,
    %get3A_336 = arith.constant 1 : i32
    %get3A_337 = arith.index_cast %get3A_336 : i32 to index
    %get3A_338 = arith.constant 96 : index
    %get3A_339 = tpu.vector_load %arg6[%get3A_337, %get3A_338] {strides = array<i32>} : memref<80x128xi32, #tpu.memory_space<vmem>>, vector<1x16xi32>,
    %get3A_340 = vector.shape_cast %get3A_339 : vector<1x16xi32> to vector<16xi32>
    %and3A_341 = arith.constant 65535 : i32
    %and3A_342 = vector.broadcast %and3A_341 : i32 to vector<16xi32>
    %and3A_343 = arith.andi %get3A_340, %and3A_342 : vector<16xi32>
    %swap3A_344 = arith.constant 1 : i32
    %swap3A_345 = arith.index_cast %swap3A_344 : i32 to index
    %swap3A_346 = arith.constant 96 : index
    %swap3A_347 = tpu.vector_load %arg7[%swap3A_345, %swap3A_346] {strides = array<i32>} : memref<2x128xi32, #tpu.memory_space<vmem>>, vector<1x16xi32>,
    %swap3A_348 = vector.shape_cast %swap3A_347 : vector<1x16xi32> to vector<16xi32>
    %swap3A_349 = vector.shape_cast %and3A_343 : vector<16xi32> to vector<1x16xi32>
    tpu.vector_store %arg7[%swap3A_345, %swap3A_346], %swap3A_349 {strides = array<i32>} : memref<2x128xi32, #tpu.memory_space<vmem>>, vector<1x16xi32>,
    %shift_right_logical3A_350 = arith.constant 16 : i32
    %shift_right_logical3A_351 = vector.broadcast %shift_right_logical3A_350 : i32 to vector<16xi32>
    %shift_right_logical3A_352 = arith.shrui %get3A_340, %shift_right_logical3A_351 : vector<16xi32>
    %swap3A_353 = arith.constant 1 : i32
    %swap3A_354 = arith.index_cast %swap3A_353 : i32 to index
    %swap3A_355 = arith.constant 96 : index
    %swap3A_356 = tpu.vector_load %arg8[%swap3A_354, %swap3A_355] {strides = array<i32>} : memref<2x128xi32, #tpu.memory_space<vmem>>, vector<1x16xi32>,
    %swap3A_357 = vector.shape_cast %swap3A_356 : vector<1x16xi32> to vector<16xi32>
    %swap3A_358 = vector.shape_cast %shift_right_logical3A_352 : vector<16xi32> to vector<1x16xi32>
    tpu.vector_store %arg8[%swap3A_354, %swap3A_355], %swap3A_358 {strides = array<i32>} : memref<2x128xi32, #tpu.memory_space<vmem>>, vector<1x16xi32>,
    %get3A_359 = arith.constant 1 : i32
    %get3A_360 = arith.index_cast %get3A_359 : i32 to index
    %get3A_361 = arith.constant 112 : index
    %get3A_362 = tpu.vector_load %arg6[%get3A_360, %get3A_361] {strides = array<i32>} : memref<80x128xi32, #tpu.memory_space<vmem>>, vector<1x16xi32>,
    %get3A_363 = vector.shape_cast %get3A_362 : vector<1x16xi32> to vector<16xi32>
    %and3A_364 = arith.constant 65535 : i32
    %and3A_365 = vector.broadcast %and3A_364 : i32 to vector<16xi32>
    %and3A_366 = arith.andi %get3A_363, %and3A_365 : vector<16xi32>
    %swap3A_367 = arith.constant 1 : i32
    %swap3A_368 = arith.index_cast %swap3A_367 : i32 to index
    %swap3A_369 = arith.constant 112 : index
    %swap3A_370 = tpu.vector_load %arg7[%swap3A_368, %swap3A_369] {strides = array<i32>} : memref<2x128xi32, #tpu.memory_space<vmem>>, vector<1x16xi32>,
    %swap3A_371 = vector.shape_cast %swap3A_370 : vector<1x16xi32> to vector<16xi32>
    %swap3A_372 = vector.shape_cast %and3A_366 : vector<16xi32> to vector<1x16xi32>
    tpu.vector_store %arg7[%swap3A_368, %swap3A_369], %swap3A_372 {strides = array<i32>} : memref<2x128xi32, #tpu.memory_space<vmem>>, vector<1x16xi32>,
    %shift_right_logical3A_373 = arith.constant 16 : i32
    %shift_right_logical3A_374 = vector.broadcast %shift_right_logical3A_373 : i32 to vector<16xi32>
    %shift_right_logical3A_375 = arith.shrui %get3A_363, %shift_right_logical3A_374 : vector<16xi32>
    %swap3A_376 = arith.constant 1 : i32
    %swap3A_377 = arith.index_cast %swap3A_376 : i32 to index
    %swap3A_378 = arith.constant 112 : index
    %swap3A_379 = tpu.vector_load %arg8[%swap3A_377, %swap3A_378] {strides = array<i32>} : memref<2x128xi32, #tpu.memory_space<vmem>>, vector<1x16xi32>,
    %swap3A_380 = vector.shape_cast %swap3A_379 : vector<1x16xi32> to vector<16xi32>
    %swap3A_381 = vector.shape_cast %shift_right_logical3A_375 : vector<16xi32> to vector<1x16xi32>
    tpu.vector_store %arg8[%swap3A_377, %swap3A_378], %swap3A_381 {strides = array<i32>} : memref<2x128xi32, #tpu.memory_space<vmem>>, vector<1x16xi32>,
    %dma_start3A_382 = arith.constant 1 : i32
    %dma_start3A_383 = arith.constant 1 : i32
    %dma_start3A_384 = arith.constant 1 : i32
    %dma_start3A_385 = arith.constant 0 : i32
    %dma_start3A_386 = arith.constant 0 : i32
    %dma_start3A_387 = arith.constant 0 : i32
    %dma_start3A_388 = tpu.memref_slice %arg9[%dma_start3A_383, %dma_start3A_386, %dma_start3A_387] : memref<2x128x128xf32, #tpu.memory_space<vmem>> -> memref<1x128x128xf32, #tpu.memory_space<vmem>>
    %dma_start3A_389 = tpu.memref_squeeze %dma_start3A_388 : memref<1x128x128xf32, #tpu.memory_space<vmem>> -> memref<128x128xf32, #tpu.memory_space<vmem>>
    %dma_start3A_390 = arith.constant 0 : i32
    %dma_start3A_391 = tpu.memref_slice %arg7[%dma_start3A_382, %dma_start3A_390] : memref<2x128xi32, #tpu.memory_space<vmem>> -> memref<1x128xi32, #tpu.memory_space<vmem>>
    %dma_start3A_392 = tpu.memref_squeeze %dma_start3A_391 : memref<1x128xi32, #tpu.memory_space<vmem>> -> memref<128xi32, #tpu.memory_space<vmem>>
    %dma_start3A_393 = arith.constant 0 : i32
    %dma_start3A_394 = arith.constant 0 : i32
    %dma_start3A_395 = tpu.memref_slice %arg3[%dma_start3A_393, %dma_start3A_394] : memref<20000x128xf32, #tpu.memory_space<hbm>> -> memref<20000x128xf32, #tpu.memory_space<hbm>>
    %dma_start3A_396 = tpu.memref_slice %arg11[%dma_start3A_384, %dma_start3A_385] : memref<2x4x!tpu.dma_semaphore, #tpu.memory_space<semaphore_mem>> -> memref<1x1x!tpu.dma_semaphore, #tpu.memory_space<semaphore_mem>>
    %dma_start3A_397 = tpu.memref_squeeze %dma_start3A_396 : memref<1x1x!tpu.dma_semaphore, #tpu.memory_space<semaphore_mem>> -> memref<!tpu.dma_semaphore, #tpu.memory_space<semaphore_mem>>
    tpu.enqueue_indirect_dma source(%dma_start3A_395 : memref<20000x128xf32, #tpu.memory_space<hbm>>) target(%dma_start3A_389 : memref<128x128xf32, #tpu.memory_space<vmem>>) offsets(%dma_start3A_392 : memref<128xi32, #tpu.memory_space<vmem>>) semaphore(%dma_start3A_397 : memref<!tpu.dma_semaphore, #tpu.memory_space<semaphore_mem>>)
    %scan3A = arith.constant 0 : i32
    %scan3A_398 = arith.constant 0 : i32
    %scan3A_399 = arith.constant 40 : i32
    %scan3A_400 = arith.addi %scan3A_398, %scan3A_399 : i32
    %scan3A_401 = arith.constant 1 : i32
    scf.for %scan3A_404 = %scan3A_398 to %scan3A_400 step %scan3A_401  : i32 {
      %mul3A_405 = arith.constant 2 : i32
      %mul3A_406 = arith.muli %scan3A_404, %mul3A_405 : i32
      %add3A = arith.constant 0 : i32
      %add3A_407 = arith.addi %mul3A_406, %add3A : i32
      %dma_wait3A = arith.constant 0 : i32
      %dma_wait3A_408 = arith.constant 0 : i32
      %dma_wait3A_409 = arith.constant 0 : i32
      %dma_wait3A_410 = arith.constant 0 : i32
      %dma_wait3A_411 = arith.constant 0 : i32
      %dma_wait3A_412 = arith.constant 0 : i32
      %dma_wait3A_413 = tpu.memref_slice %arg9[%dma_wait3A_408, %dma_wait3A_411, %dma_wait3A_412] : memref<2x128x128xf32, #tpu.memory_space<vmem>> -> memref<1x128x128xf32, #tpu.memory_space<vmem>>
      %dma_wait3A_414 = tpu.memref_squeeze %dma_wait3A_413 : memref<1x128x128xf32, #tpu.memory_space<vmem>> -> memref<128x128xf32, #tpu.memory_space<vmem>>
      %dma_wait3A_415 = arith.constant 0 : i32
      %dma_wait3A_416 = tpu.memref_slice %arg7[%dma_wait3A, %dma_wait3A_415] : memref<2x128xi32, #tpu.memory_space<vmem>> -> memref<1x128xi32, #tpu.memory_space<vmem>>
      %dma_wait3A_417 = tpu.memref_squeeze %dma_wait3A_416 : memref<1x128xi32, #tpu.memory_space<vmem>> -> memref<128xi32, #tpu.memory_space<vmem>>
      %dma_wait3A_418 = arith.constant 0 : i32
      %dma_wait3A_419 = arith.constant 0 : i32
      %dma_wait3A_420 = tpu.memref_slice %arg3[%dma_wait3A_418, %dma_wait3A_419] : memref<20000x128xf32, #tpu.memory_space<hbm>> -> memref<20000x128xf32, #tpu.memory_space<hbm>>
      %dma_wait3A_421 = tpu.memref_slice %arg11[%dma_wait3A_409, %dma_wait3A_410] : memref<2x4x!tpu.dma_semaphore, #tpu.memory_space<semaphore_mem>> -> memref<1x1x!tpu.dma_semaphore, #tpu.memory_space<semaphore_mem>>
      %dma_wait3A_422 = tpu.memref_squeeze %dma_wait3A_421 : memref<1x1x!tpu.dma_semaphore, #tpu.memory_space<semaphore_mem>> -> memref<!tpu.dma_semaphore, #tpu.memory_space<semaphore_mem>>
      tpu.wait_indirect_dma semaphore(%dma_wait3A_422 : memref<!tpu.dma_semaphore, #tpu.memory_space<semaphore_mem>>) src(%dma_wait3A_420 : memref<20000x128xf32, #tpu.memory_space<hbm>>) dst(%dma_wait3A_414 : memref<128x128xf32, #tpu.memory_space<vmem>>)
      %run_scoped3A = arith.constant 0 : i32
      %run_scoped3A_423 = arith.constant 0 : i32
      "tpu.region"() ({
        %run_scoped3A_455 = tpu.sem_alloc : memref<!tpu.dma_semaphore, #tpu.memory_space<semaphore_mem>>
        %dma_start3A_456 = arith.constant 0 : i32
        %dma_start3A_457 = arith.constant 0 : i32
        %dma_start3A_458 = tpu.memref_slice %arg9[%run_scoped3A, %dma_start3A_456, %dma_start3A_457] : memref<2x128x128xf32, #tpu.memory_space<vmem>> -> memref<1x128x128xf32, #tpu.memory_space<vmem>>
        %dma_start3A_459 = tpu.memref_squeeze %dma_start3A_458 : memref<1x128x128xf32, #tpu.memory_space<vmem>> -> memref<128x128xf32, #tpu.memory_space<vmem>>
        %dma_start3A_460 = arith.constant 0 : i32
        %dma_start3A_461 = tpu.memref_slice %arg8[%run_scoped3A_423, %dma_start3A_460] : memref<2x128xi32, #tpu.memory_space<vmem>> -> memref<1x128xi32, #tpu.memory_space<vmem>>
        %dma_start3A_462 = tpu.memref_squeeze %dma_start3A_461 : memref<1x128xi32, #tpu.memory_space<vmem>> -> memref<128xi32, #tpu.memory_space<vmem>>
        %dma_start3A_463 = arith.constant 0 : i32
        %dma_start3A_464 = arith.constant 0 : i32
        %dma_start3A_465 = tpu.memref_slice %arg10[%dma_start3A_463, %dma_start3A_464] : memref<10240x128xf32, #tpu.memory_space<vmem_shared>> -> memref<10240x128xf32, #tpu.memory_space<vmem_shared>>
        tpu.enqueue_indirect_dma source(%dma_start3A_459 : memref<128x128xf32, #tpu.memory_space<vmem>>) target(%dma_start3A_465 : memref<10240x128xf32, #tpu.memory_space<vmem_shared>>) offsets(%dma_start3A_462 : memref<128xi32, #tpu.memory_space<vmem>>) semaphore(%run_scoped3A_455 : memref<!tpu.dma_semaphore, #tpu.memory_space<semaphore_mem>>) {add = true}
        %dma_wait3A_466 = arith.constant 0 : i32
        %dma_wait3A_467 = arith.constant 0 : i32
        %dma_wait3A_468 = tpu.memref_slice %arg9[%run_scoped3A, %dma_wait3A_466, %dma_wait3A_467] : memref<2x128x128xf32, #tpu.memory_space<vmem>> -> memref<1x128x128xf32, #tpu.memory_space<vmem>>
        %dma_wait3A_469 = tpu.memref_squeeze %dma_wait3A_468 : memref<1x128x128xf32, #tpu.memory_space<vmem>> -> memref<128x128xf32, #tpu.memory_space<vmem>>
        %dma_wait3A_470 = arith.constant 0 : i32
        %dma_wait3A_471 = tpu.memref_slice %arg8[%run_scoped3A_423, %dma_wait3A_470] : memref<2x128xi32, #tpu.memory_space<vmem>> -> memref<1x128xi32, #tpu.memory_space<vmem>>
        %dma_wait3A_472 = tpu.memref_squeeze %dma_wait3A_471 : memref<1x128xi32, #tpu.memory_space<vmem>> -> memref<128xi32, #tpu.memory_space<vmem>>
        %dma_wait3A_473 = arith.constant 0 : i32
        %dma_wait3A_474 = arith.constant 0 : i32
        %dma_wait3A_475 = tpu.memref_slice %arg10[%dma_wait3A_473, %dma_wait3A_474] : memref<10240x128xf32, #tpu.memory_space<vmem_shared>> -> memref<10240x128xf32, #tpu.memory_space<vmem_shared>>
        tpu.wait_indirect_dma semaphore(%run_scoped3A_455 : memref<!tpu.dma_semaphore, #tpu.memory_space<semaphore_mem>>) src(%dma_wait3A_469 : memref<128x128xf32, #tpu.memory_space<vmem>>) dst(%dma_wait3A_475 : memref<10240x128xf32, #tpu.memory_space<vmem_shared>>)
        tpu.yield
      }) : () -> ()
      %add3A_424 = arith.constant 2 : i32
      %add3A_425 = arith.addi %add3A_407, %add3A_424 : i32
      %lt3A = arith.constant 80 : i32
      %lt3A_426 = arith.cmpi slt, %add3A_425, %lt3A : i32
      %convert_element_type3A = arith.extui %lt3A_426 : i1 to i32
      %cond3A = arith.constant 0 : i32
      %cond3A_427 = arith.cmpi ne, %convert_element_type3A, %cond3A : i32
      scf.if %cond3A_427 {
        %get3A_455 = arith.index_cast %add3A_425 : i32 to index
        %get3A_456 = arith.constant 0 : index
        %get3A_457 = tpu.vector_load %arg6[%get3A_455, %get3A_456] {strides = array<i32>} : memref<80x128xi32, #tpu.memory_space<vmem>>, vector<1x16xi32>,
        %get3A_458 = vector.shape_cast %get3A_457 : vector<1x16xi32> to vector<16xi32>
        %and3A_459 = arith.constant 65535 : i32
        %and3A_460 = vector.broadcast %and3A_459 : i32 to vector<16xi32>
        %and3A_461 = arith.andi %get3A_458, %and3A_460 : vector<16xi32>
        %swap3A_462 = arith.constant 0 : i32
        %swap3A_463 = arith.index_cast %swap3A_462 : i32 to index
        %swap3A_464 = arith.constant 0 : index
        %swap3A_465 = tpu.vector_load %arg7[%swap3A_463, %swap3A_464] {strides = array<i32>} : memref<2x128xi32, #tpu.memory_space<vmem>>, vector<1x16xi32>,
        %swap3A_466 = vector.shape_cast %swap3A_465 : vector<1x16xi32> to vector<16xi32>
        %swap3A_467 = vector.shape_cast %and3A_461 : vector<16xi32> to vector<1x16xi32>
        tpu.vector_store %arg7[%swap3A_463, %swap3A_464], %swap3A_467 {strides = array<i32>} : memref<2x128xi32, #tpu.memory_space<vmem>>, vector<1x16xi32>,
        %shift_right_logical3A_468 = arith.constant 16 : i32
        %shift_right_logical3A_469 = vector.broadcast %shift_right_logical3A_468 : i32 to vector<16xi32>
        %shift_right_logical3A_470 = arith.shrui %get3A_458, %shift_right_logical3A_469 : vector<16xi32>
        %swap3A_471 = arith.constant 0 : i32
        %swap3A_472 = arith.index_cast %swap3A_471 : i32 to index
        %swap3A_473 = arith.constant 0 : index
        %swap3A_474 = tpu.vector_load %arg8[%swap3A_472, %swap3A_473] {strides = array<i32>} : memref<2x128xi32, #tpu.memory_space<vmem>>, vector<1x16xi32>,
        %swap3A_475 = vector.shape_cast %swap3A_474 : vector<1x16xi32> to vector<16xi32>
        %swap3A_476 = vector.shape_cast %shift_right_logical3A_470 : vector<16xi32> to vector<1x16xi32>
        tpu.vector_store %arg8[%swap3A_472, %swap3A_473], %swap3A_476 {strides = array<i32>} : memref<2x128xi32, #tpu.memory_space<vmem>>, vector<1x16xi32>,
        %get3A_477 = arith.index_cast %add3A_425 : i32 to index
        %get3A_478 = arith.constant 16 : index
        %get3A_479 = tpu.vector_load %arg6[%get3A_477, %get3A_478] {strides = array<i32>} : memref<80x128xi32, #tpu.memory_space<vmem>>, vector<1x16xi32>,
        %get3A_480 = vector.shape_cast %get3A_479 : vector<1x16xi32> to vector<16xi32>
        %and3A_481 = arith.constant 65535 : i32
        %and3A_482 = vector.broadcast %and3A_481 : i32 to vector<16xi32>
        %and3A_483 = arith.andi %get3A_480, %and3A_482 : vector<16xi32>
        %swap3A_484 = arith.constant 0 : i32
        %swap3A_485 = arith.index_cast %swap3A_484 : i32 to index
        %swap3A_486 = arith.constant 16 : index
        %swap3A_487 = tpu.vector_load %arg7[%swap3A_485, %swap3A_486] {strides = array<i32>} : memref<2x128xi32, #tpu.memory_space<vmem>>, vector<1x16xi32>,
        %swap3A_488 = vector.shape_cast %swap3A_487 : vector<1x16xi32> to vector<16xi32>
        %swap3A_489 = vector.shape_cast %and3A_483 : vector<16xi32> to vector<1x16xi32>
        tpu.vector_store %arg7[%swap3A_485, %swap3A_486], %swap3A_489 {strides = array<i32>} : memref<2x128xi32, #tpu.memory_space<vmem>>, vector<1x16xi32>,
        %shift_right_logical3A_490 = arith.constant 16 : i32
        %shift_right_logical3A_491 = vector.broadcast %shift_right_logical3A_490 : i32 to vector<16xi32>
        %shift_right_logical3A_492 = arith.shrui %get3A_480, %shift_right_logical3A_491 : vector<16xi32>
        %swap3A_493 = arith.constant 0 : i32
        %swap3A_494 = arith.index_cast %swap3A_493 : i32 to index
        %swap3A_495 = arith.constant 16 : index
        %swap3A_496 = tpu.vector_load %arg8[%swap3A_494, %swap3A_495] {strides = array<i32>} : memref<2x128xi32, #tpu.memory_space<vmem>>, vector<1x16xi32>,
        %swap3A_497 = vector.shape_cast %swap3A_496 : vector<1x16xi32> to vector<16xi32>
        %swap3A_498 = vector.shape_cast %shift_right_logical3A_492 : vector<16xi32> to vector<1x16xi32>
        tpu.vector_store %arg8[%swap3A_494, %swap3A_495], %swap3A_498 {strides = array<i32>} : memref<2x128xi32, #tpu.memory_space<vmem>>, vector<1x16xi32>,
        %get3A_499 = arith.index_cast %add3A_425 : i32 to index
        %get3A_500 = arith.constant 32 : index
        %get3A_501 = tpu.vector_load %arg6[%get3A_499, %get3A_500] {strides = array<i32>} : memref<80x128xi32, #tpu.memory_space<vmem>>, vector<1x16xi32>,
        %get3A_502 = vector.shape_cast %get3A_501 : vector<1x16xi32> to vector<16xi32>
        %and3A_503 = arith.constant 65535 : i32
        %and3A_504 = vector.broadcast %and3A_503 : i32 to vector<16xi32>
        %and3A_505 = arith.andi %get3A_502, %and3A_504 : vector<16xi32>
        %swap3A_506 = arith.constant 0 : i32
        %swap3A_507 = arith.index_cast %swap3A_506 : i32 to index
        %swap3A_508 = arith.constant 32 : index
        %swap3A_509 = tpu.vector_load %arg7[%swap3A_507, %swap3A_508] {strides = array<i32>} : memref<2x128xi32, #tpu.memory_space<vmem>>, vector<1x16xi32>,
        %swap3A_510 = vector.shape_cast %swap3A_509 : vector<1x16xi32> to vector<16xi32>
        %swap3A_511 = vector.shape_cast %and3A_505 : vector<16xi32> to vector<1x16xi32>
        tpu.vector_store %arg7[%swap3A_507, %swap3A_508], %swap3A_511 {strides = array<i32>} : memref<2x128xi32, #tpu.memory_space<vmem>>, vector<1x16xi32>,
        %shift_right_logical3A_512 = arith.constant 16 : i32
        %shift_right_logical3A_513 = vector.broadcast %shift_right_logical3A_512 : i32 to vector<16xi32>
        %shift_right_logical3A_514 = arith.shrui %get3A_502, %shift_right_logical3A_513 : vector<16xi32>
        %swap3A_515 = arith.constant 0 : i32
        %swap3A_516 = arith.index_cast %swap3A_515 : i32 to index
        %swap3A_517 = arith.constant 32 : index
        %swap3A_518 = tpu.vector_load %arg8[%swap3A_516, %swap3A_517] {strides = array<i32>} : memref<2x128xi32, #tpu.memory_space<vmem>>, vector<1x16xi32>,
        %swap3A_519 = vector.shape_cast %swap3A_518 : vector<1x16xi32> to vector<16xi32>
        %swap3A_520 = vector.shape_cast %shift_right_logical3A_514 : vector<16xi32> to vector<1x16xi32>
        tpu.vector_store %arg8[%swap3A_516, %swap3A_517], %swap3A_520 {strides = array<i32>} : memref<2x128xi32, #tpu.memory_space<vmem>>, vector<1x16xi32>,
        %get3A_521 = arith.index_cast %add3A_425 : i32 to index
        %get3A_522 = arith.constant 48 : index
        %get3A_523 = tpu.vector_load %arg6[%get3A_521, %get3A_522] {strides = array<i32>} : memref<80x128xi32, #tpu.memory_space<vmem>>, vector<1x16xi32>,
        %get3A_524 = vector.shape_cast %get3A_523 : vector<1x16xi32> to vector<16xi32>
        %and3A_525 = arith.constant 65535 : i32
        %and3A_526 = vector.broadcast %and3A_525 : i32 to vector<16xi32>
        %and3A_527 = arith.andi %get3A_524, %and3A_526 : vector<16xi32>
        %swap3A_528 = arith.constant 0 : i32
        %swap3A_529 = arith.index_cast %swap3A_528 : i32 to index
        %swap3A_530 = arith.constant 48 : index
        %swap3A_531 = tpu.vector_load %arg7[%swap3A_529, %swap3A_530] {strides = array<i32>} : memref<2x128xi32, #tpu.memory_space<vmem>>, vector<1x16xi32>,
        %swap3A_532 = vector.shape_cast %swap3A_531 : vector<1x16xi32> to vector<16xi32>
        %swap3A_533 = vector.shape_cast %and3A_527 : vector<16xi32> to vector<1x16xi32>
        tpu.vector_store %arg7[%swap3A_529, %swap3A_530], %swap3A_533 {strides = array<i32>} : memref<2x128xi32, #tpu.memory_space<vmem>>, vector<1x16xi32>,
        %shift_right_logical3A_534 = arith.constant 16 : i32
        %shift_right_logical3A_535 = vector.broadcast %shift_right_logical3A_534 : i32 to vector<16xi32>
        %shift_right_logical3A_536 = arith.shrui %get3A_524, %shift_right_logical3A_535 : vector<16xi32>
        %swap3A_537 = arith.constant 0 : i32
        %swap3A_538 = arith.index_cast %swap3A_537 : i32 to index
        %swap3A_539 = arith.constant 48 : index
        %swap3A_540 = tpu.vector_load %arg8[%swap3A_538, %swap3A_539] {strides = array<i32>} : memref<2x128xi32, #tpu.memory_space<vmem>>, vector<1x16xi32>,
        %swap3A_541 = vector.shape_cast %swap3A_540 : vector<1x16xi32> to vector<16xi32>
        %swap3A_542 = vector.shape_cast %shift_right_logical3A_536 : vector<16xi32> to vector<1x16xi32>
        tpu.vector_store %arg8[%swap3A_538, %swap3A_539], %swap3A_542 {strides = array<i32>} : memref<2x128xi32, #tpu.memory_space<vmem>>, vector<1x16xi32>,
        %get3A_543 = arith.index_cast %add3A_425 : i32 to index
        %get3A_544 = arith.constant 64 : index
        %get3A_545 = tpu.vector_load %arg6[%get3A_543, %get3A_544] {strides = array<i32>} : memref<80x128xi32, #tpu.memory_space<vmem>>, vector<1x16xi32>,
        %get3A_546 = vector.shape_cast %get3A_545 : vector<1x16xi32> to vector<16xi32>
        %and3A_547 = arith.constant 65535 : i32
        %and3A_548 = vector.broadcast %and3A_547 : i32 to vector<16xi32>
        %and3A_549 = arith.andi %get3A_546, %and3A_548 : vector<16xi32>
        %swap3A_550 = arith.constant 0 : i32
        %swap3A_551 = arith.index_cast %swap3A_550 : i32 to index
        %swap3A_552 = arith.constant 64 : index
        %swap3A_553 = tpu.vector_load %arg7[%swap3A_551, %swap3A_552] {strides = array<i32>} : memref<2x128xi32, #tpu.memory_space<vmem>>, vector<1x16xi32>,
        %swap3A_554 = vector.shape_cast %swap3A_553 : vector<1x16xi32> to vector<16xi32>
        %swap3A_555 = vector.shape_cast %and3A_549 : vector<16xi32> to vector<1x16xi32>
        tpu.vector_store %arg7[%swap3A_551, %swap3A_552], %swap3A_555 {strides = array<i32>} : memref<2x128xi32, #tpu.memory_space<vmem>>, vector<1x16xi32>,
        %shift_right_logical3A_556 = arith.constant 16 : i32
        %shift_right_logical3A_557 = vector.broadcast %shift_right_logical3A_556 : i32 to vector<16xi32>
        %shift_right_logical3A_558 = arith.shrui %get3A_546, %shift_right_logical3A_557 : vector<16xi32>
        %swap3A_559 = arith.constant 0 : i32
        %swap3A_560 = arith.index_cast %swap3A_559 : i32 to index
        %swap3A_561 = arith.constant 64 : index
        %swap3A_562 = tpu.vector_load %arg8[%swap3A_560, %swap3A_561] {strides = array<i32>} : memref<2x128xi32, #tpu.memory_space<vmem>>, vector<1x16xi32>,
        %swap3A_563 = vector.shape_cast %swap3A_562 : vector<1x16xi32> to vector<16xi32>
        %swap3A_564 = vector.shape_cast %shift_right_logical3A_558 : vector<16xi32> to vector<1x16xi32>
        tpu.vector_store %arg8[%swap3A_560, %swap3A_561], %swap3A_564 {strides = array<i32>} : memref<2x128xi32, #tpu.memory_space<vmem>>, vector<1x16xi32>,
        %get3A_565 = arith.index_cast %add3A_425 : i32 to index
        %get3A_566 = arith.constant 80 : index
        %get3A_567 = tpu.vector_load %arg6[%get3A_565, %get3A_566] {strides = array<i32>} : memref<80x128xi32, #tpu.memory_space<vmem>>, vector<1x16xi32>,
        %get3A_568 = vector.shape_cast %get3A_567 : vector<1x16xi32> to vector<16xi32>
        %and3A_569 = arith.constant 65535 : i32
        %and3A_570 = vector.broadcast %and3A_569 : i32 to vector<16xi32>
        %and3A_571 = arith.andi %get3A_568, %and3A_570 : vector<16xi32>
        %swap3A_572 = arith.constant 0 : i32
        %swap3A_573 = arith.index_cast %swap3A_572 : i32 to index
        %swap3A_574 = arith.constant 80 : index
        %swap3A_575 = tpu.vector_load %arg7[%swap3A_573, %swap3A_574] {strides = array<i32>} : memref<2x128xi32, #tpu.memory_space<vmem>>, vector<1x16xi32>,
        %swap3A_576 = vector.shape_cast %swap3A_575 : vector<1x16xi32> to vector<16xi32>
        %swap3A_577 = vector.shape_cast %and3A_571 : vector<16xi32> to vector<1x16xi32>
        tpu.vector_store %arg7[%swap3A_573, %swap3A_574], %swap3A_577 {strides = array<i32>} : memref<2x128xi32, #tpu.memory_space<vmem>>, vector<1x16xi32>,
        %shift_right_logical3A_578 = arith.constant 16 : i32
        %shift_right_logical3A_579 = vector.broadcast %shift_right_logical3A_578 : i32 to vector<16xi32>
        %shift_right_logical3A_580 = arith.shrui %get3A_568, %shift_right_logical3A_579 : vector<16xi32>
        %swap3A_581 = arith.constant 0 : i32
        %swap3A_582 = arith.index_cast %swap3A_581 : i32 to index
        %swap3A_583 = arith.constant 80 : index
        %swap3A_584 = tpu.vector_load %arg8[%swap3A_582, %swap3A_583] {strides = array<i32>} : memref<2x128xi32, #tpu.memory_space<vmem>>, vector<1x16xi32>,
        %swap3A_585 = vector.shape_cast %swap3A_584 : vector<1x16xi32> to vector<16xi32>
        %swap3A_586 = vector.shape_cast %shift_right_logical3A_580 : vector<16xi32> to vector<1x16xi32>
        tpu.vector_store %arg8[%swap3A_582, %swap3A_583], %swap3A_586 {strides = array<i32>} : memref<2x128xi32, #tpu.memory_space<vmem>>, vector<1x16xi32>,
        %get3A_587 = arith.index_cast %add3A_425 : i32 to index
        %get3A_588 = arith.constant 96 : index
        %get3A_589 = tpu.vector_load %arg6[%get3A_587, %get3A_588] {strides = array<i32>} : memref<80x128xi32, #tpu.memory_space<vmem>>, vector<1x16xi32>,
        %get3A_590 = vector.shape_cast %get3A_589 : vector<1x16xi32> to vector<16xi32>
        %and3A_591 = arith.constant 65535 : i32
        %and3A_592 = vector.broadcast %and3A_591 : i32 to vector<16xi32>
        %and3A_593 = arith.andi %get3A_590, %and3A_592 : vector<16xi32>
        %swap3A_594 = arith.constant 0 : i32
        %swap3A_595 = arith.index_cast %swap3A_594 : i32 to index
        %swap3A_596 = arith.constant 96 : index
        %swap3A_597 = tpu.vector_load %arg7[%swap3A_595, %swap3A_596] {strides = array<i32>} : memref<2x128xi32, #tpu.memory_space<vmem>>, vector<1x16xi32>,
        %swap3A_598 = vector.shape_cast %swap3A_597 : vector<1x16xi32> to vector<16xi32>
        %swap3A_599 = vector.shape_cast %and3A_593 : vector<16xi32> to vector<1x16xi32>
        tpu.vector_store %arg7[%swap3A_595, %swap3A_596], %swap3A_599 {strides = array<i32>} : memref<2x128xi32, #tpu.memory_space<vmem>>, vector<1x16xi32>,
        %shift_right_logical3A_600 = arith.constant 16 : i32
        %shift_right_logical3A_601 = vector.broadcast %shift_right_logical3A_600 : i32 to vector<16xi32>
        %shift_right_logical3A_602 = arith.shrui %get3A_590, %shift_right_logical3A_601 : vector<16xi32>
        %swap3A_603 = arith.constant 0 : i32
        %swap3A_604 = arith.index_cast %swap3A_603 : i32 to index
        %swap3A_605 = arith.constant 96 : index
        %swap3A_606 = tpu.vector_load %arg8[%swap3A_604, %swap3A_605] {strides = array<i32>} : memref<2x128xi32, #tpu.memory_space<vmem>>, vector<1x16xi32>,
        %swap3A_607 = vector.shape_cast %swap3A_606 : vector<1x16xi32> to vector<16xi32>
        %swap3A_608 = vector.shape_cast %shift_right_logical3A_602 : vector<16xi32> to vector<1x16xi32>
        tpu.vector_store %arg8[%swap3A_604, %swap3A_605], %swap3A_608 {strides = array<i32>} : memref<2x128xi32, #tpu.memory_space<vmem>>, vector<1x16xi32>,
        %get3A_609 = arith.index_cast %add3A_425 : i32 to index
        %get3A_610 = arith.constant 112 : index
        %get3A_611 = tpu.vector_load %arg6[%get3A_609, %get3A_610] {strides = array<i32>} : memref<80x128xi32, #tpu.memory_space<vmem>>, vector<1x16xi32>,
        %get3A_612 = vector.shape_cast %get3A_611 : vector<1x16xi32> to vector<16xi32>
        %and3A_613 = arith.constant 65535 : i32
        %and3A_614 = vector.broadcast %and3A_613 : i32 to vector<16xi32>
        %and3A_615 = arith.andi %get3A_612, %and3A_614 : vector<16xi32>
        %swap3A_616 = arith.constant 0 : i32
        %swap3A_617 = arith.index_cast %swap3A_616 : i32 to index
        %swap3A_618 = arith.constant 112 : index
        %swap3A_619 = tpu.vector_load %arg7[%swap3A_617, %swap3A_618] {strides = array<i32>} : memref<2x128xi32, #tpu.memory_space<vmem>>, vector<1x16xi32>,
        %swap3A_620 = vector.shape_cast %swap3A_619 : vector<1x16xi32> to vector<16xi32>
        %swap3A_621 = vector.shape_cast %and3A_615 : vector<16xi32> to vector<1x16xi32>
        tpu.vector_store %arg7[%swap3A_617, %swap3A_618], %swap3A_621 {strides = array<i32>} : memref<2x128xi32, #tpu.memory_space<vmem>>, vector<1x16xi32>,
        %shift_right_logical3A_622 = arith.constant 16 : i32
        %shift_right_logical3A_623 = vector.broadcast %shift_right_logical3A_622 : i32 to vector<16xi32>
        %shift_right_logical3A_624 = arith.shrui %get3A_612, %shift_right_logical3A_623 : vector<16xi32>
        %swap3A_625 = arith.constant 0 : i32
        %swap3A_626 = arith.index_cast %swap3A_625 : i32 to index
        %swap3A_627 = arith.constant 112 : index
        %swap3A_628 = tpu.vector_load %arg8[%swap3A_626, %swap3A_627] {strides = array<i32>} : memref<2x128xi32, #tpu.memory_space<vmem>>, vector<1x16xi32>,
        %swap3A_629 = vector.shape_cast %swap3A_628 : vector<1x16xi32> to vector<16xi32>
        %swap3A_630 = vector.shape_cast %shift_right_logical3A_624 : vector<16xi32> to vector<1x16xi32>
        tpu.vector_store %arg8[%swap3A_626, %swap3A_627], %swap3A_630 {strides = array<i32>} : memref<2x128xi32, #tpu.memory_space<vmem>>, vector<1x16xi32>,
        %dma_start3A_631 = arith.constant 0 : i32
        %dma_start3A_632 = arith.constant 0 : i32
        %dma_start3A_633 = arith.constant 0 : i32
        %dma_start3A_634 = arith.constant 0 : i32
        %dma_start3A_635 = arith.constant 0 : i32
        %dma_start3A_636 = arith.constant 0 : i32
        %dma_start3A_637 = tpu.memref_slice %arg9[%dma_start3A_632, %dma_start3A_635, %dma_start3A_636] : memref<2x128x128xf32, #tpu.memory_space<vmem>> -> memref<1x128x128xf32, #tpu.memory_space<vmem>>
        %dma_start3A_638 = tpu.memref_squeeze %dma_start3A_637 : memref<1x128x128xf32, #tpu.memory_space<vmem>> -> memref<128x128xf32, #tpu.memory_space<vmem>>
        %dma_start3A_639 = arith.constant 0 : i32
        %dma_start3A_640 = tpu.memref_slice %arg7[%dma_start3A_631, %dma_start3A_639] : memref<2x128xi32, #tpu.memory_space<vmem>> -> memref<1x128xi32, #tpu.memory_space<vmem>>
        %dma_start3A_641 = tpu.memref_squeeze %dma_start3A_640 : memref<1x128xi32, #tpu.memory_space<vmem>> -> memref<128xi32, #tpu.memory_space<vmem>>
        %dma_start3A_642 = arith.constant 0 : i32
        %dma_start3A_643 = arith.constant 0 : i32
        %dma_start3A_644 = tpu.memref_slice %arg3[%dma_start3A_642, %dma_start3A_643] : memref<20000x128xf32, #tpu.memory_space<hbm>> -> memref<20000x128xf32, #tpu.memory_space<hbm>>
        %dma_start3A_645 = tpu.memref_slice %arg11[%dma_start3A_633, %dma_start3A_634] : memref<2x4x!tpu.dma_semaphore, #tpu.memory_space<semaphore_mem>> -> memref<1x1x!tpu.dma_semaphore, #tpu.memory_space<semaphore_mem>>
        %dma_start3A_646 = tpu.memref_squeeze %dma_start3A_645 : memref<1x1x!tpu.dma_semaphore, #tpu.memory_space<semaphore_mem>> -> memref<!tpu.dma_semaphore, #tpu.memory_space<semaphore_mem>>
        tpu.enqueue_indirect_dma source(%dma_start3A_644 : memref<20000x128xf32, #tpu.memory_space<hbm>>) target(%dma_start3A_638 : memref<128x128xf32, #tpu.memory_space<vmem>>) offsets(%dma_start3A_641 : memref<128xi32, #tpu.memory_space<vmem>>) semaphore(%dma_start3A_646 : memref<!tpu.dma_semaphore, #tpu.memory_space<semaphore_mem>>)
      } else {
      }
      %add3A_428 = arith.constant 1 : i32
      %add3A_429 = arith.addi %mul3A_406, %add3A_428 : i32
      %dma_wait3A_430 = arith.constant 1 : i32
      %dma_wait3A_431 = arith.constant 1 : i32
      %dma_wait3A_432 = arith.constant 1 : i32
      %dma_wait3A_433 = arith.constant 0 : i32
      %dma_wait3A_434 = arith.constant 0 : i32
      %dma_wait3A_435 = arith.constant 0 : i32
      %dma_wait3A_436 = tpu.memref_slice %arg9[%dma_wait3A_431, %dma_wait3A_434, %dma_wait3A_435] : memref<2x128x128xf32, #tpu.memory_space<vmem>> -> memref<1x128x128xf32, #tpu.memory_space<vmem>>
      %dma_wait3A_437 = tpu.memref_squeeze %dma_wait3A_436 : memref<1x128x128xf32, #tpu.memory_space<vmem>> -> memref<128x128xf32, #tpu.memory_space<vmem>>
      %dma_wait3A_438 = arith.constant 0 : i32
      %dma_wait3A_439 = tpu.memref_slice %arg7[%dma_wait3A_430, %dma_wait3A_438] : memref<2x128xi32, #tpu.memory_space<vmem>> -> memref<1x128xi32, #tpu.memory_space<vmem>>
      %dma_wait3A_440 = tpu.memref_squeeze %dma_wait3A_439 : memref<1x128xi32, #tpu.memory_space<vmem>> -> memref<128xi32, #tpu.memory_space<vmem>>
      %dma_wait3A_441 = arith.constant 0 : i32
      %dma_wait3A_442 = arith.constant 0 : i32
      %dma_wait3A_443 = tpu.memref_slice %arg3[%dma_wait3A_441, %dma_wait3A_442] : memref<20000x128xf32, #tpu.memory_space<hbm>> -> memref<20000x128xf32, #tpu.memory_space<hbm>>
      %dma_wait3A_444 = tpu.memref_slice %arg11[%dma_wait3A_432, %dma_wait3A_433] : memref<2x4x!tpu.dma_semaphore, #tpu.memory_space<semaphore_mem>> -> memref<1x1x!tpu.dma_semaphore, #tpu.memory_space<semaphore_mem>>
      %dma_wait3A_445 = tpu.memref_squeeze %dma_wait3A_444 : memref<1x1x!tpu.dma_semaphore, #tpu.memory_space<semaphore_mem>> -> memref<!tpu.dma_semaphore, #tpu.memory_space<semaphore_mem>>
      tpu.wait_indirect_dma semaphore(%dma_wait3A_445 : memref<!tpu.dma_semaphore, #tpu.memory_space<semaphore_mem>>) src(%dma_wait3A_443 : memref<20000x128xf32, #tpu.memory_space<hbm>>) dst(%dma_wait3A_437 : memref<128x128xf32, #tpu.memory_space<vmem>>)
      %run_scoped3A_446 = arith.constant 1 : i32
      %run_scoped3A_447 = arith.constant 1 : i32
      "tpu.region"() ({
        %run_scoped3A_455 = tpu.sem_alloc : memref<!tpu.dma_semaphore, #tpu.memory_space<semaphore_mem>>
        %dma_start3A_456 = arith.constant 0 : i32
        %dma_start3A_457 = arith.constant 0 : i32
        %dma_start3A_458 = tpu.memref_slice %arg9[%run_scoped3A_446, %dma_start3A_456, %dma_start3A_457] : memref<2x128x128xf32, #tpu.memory_space<vmem>> -> memref<1x128x128xf32, #tpu.memory_space<vmem>>
        %dma_start3A_459 = tpu.memref_squeeze %dma_start3A_458 : memref<1x128x128xf32, #tpu.memory_space<vmem>> -> memref<128x128xf32, #tpu.memory_space<vmem>>
        %dma_start3A_460 = arith.constant 0 : i32
        %dma_start3A_461 = tpu.memref_slice %arg8[%run_scoped3A_447, %dma_start3A_460] : memref<2x128xi32, #tpu.memory_space<vmem>> -> memref<1x128xi32, #tpu.memory_space<vmem>>
        %dma_start3A_462 = tpu.memref_squeeze %dma_start3A_461 : memref<1x128xi32, #tpu.memory_space<vmem>> -> memref<128xi32, #tpu.memory_space<vmem>>
        %dma_start3A_463 = arith.constant 0 : i32
        %dma_start3A_464 = arith.constant 0 : i32
        %dma_start3A_465 = tpu.memref_slice %arg10[%dma_start3A_463, %dma_start3A_464] : memref<10240x128xf32, #tpu.memory_space<vmem_shared>> -> memref<10240x128xf32, #tpu.memory_space<vmem_shared>>
        tpu.enqueue_indirect_dma source(%dma_start3A_459 : memref<128x128xf32, #tpu.memory_space<vmem>>) target(%dma_start3A_465 : memref<10240x128xf32, #tpu.memory_space<vmem_shared>>) offsets(%dma_start3A_462 : memref<128xi32, #tpu.memory_space<vmem>>) semaphore(%run_scoped3A_455 : memref<!tpu.dma_semaphore, #tpu.memory_space<semaphore_mem>>) {add = true}
        %dma_wait3A_466 = arith.constant 0 : i32
        %dma_wait3A_467 = arith.constant 0 : i32
        %dma_wait3A_468 = tpu.memref_slice %arg9[%run_scoped3A_446, %dma_wait3A_466, %dma_wait3A_467] : memref<2x128x128xf32, #tpu.memory_space<vmem>> -> memref<1x128x128xf32, #tpu.memory_space<vmem>>
        %dma_wait3A_469 = tpu.memref_squeeze %dma_wait3A_468 : memref<1x128x128xf32, #tpu.memory_space<vmem>> -> memref<128x128xf32, #tpu.memory_space<vmem>>
        %dma_wait3A_470 = arith.constant 0 : i32
        %dma_wait3A_471 = tpu.memref_slice %arg8[%run_scoped3A_447, %dma_wait3A_470] : memref<2x128xi32, #tpu.memory_space<vmem>> -> memref<1x128xi32, #tpu.memory_space<vmem>>
        %dma_wait3A_472 = tpu.memref_squeeze %dma_wait3A_471 : memref<1x128xi32, #tpu.memory_space<vmem>> -> memref<128xi32, #tpu.memory_space<vmem>>
        %dma_wait3A_473 = arith.constant 0 : i32
        %dma_wait3A_474 = arith.constant 0 : i32
        %dma_wait3A_475 = tpu.memref_slice %arg10[%dma_wait3A_473, %dma_wait3A_474] : memref<10240x128xf32, #tpu.memory_space<vmem_shared>> -> memref<10240x128xf32, #tpu.memory_space<vmem_shared>>
        tpu.wait_indirect_dma semaphore(%run_scoped3A_455 : memref<!tpu.dma_semaphore, #tpu.memory_space<semaphore_mem>>) src(%dma_wait3A_469 : memref<128x128xf32, #tpu.memory_space<vmem>>) dst(%dma_wait3A_475 : memref<10240x128xf32, #tpu.memory_space<vmem_shared>>)
        tpu.yield
      }) : () -> ()
      %add3A_448 = arith.constant 2 : i32
      %add3A_449 = arith.addi %add3A_429, %add3A_448 : i32
      %lt3A_450 = arith.constant 80 : i32
      %lt3A_451 = arith.cmpi slt, %add3A_449, %lt3A_450 : i32
      %convert_element_type3A_452 = arith.extui %lt3A_451 : i1 to i32
      %cond3A_453 = arith.constant 0 : i32
      %cond3A_454 = arith.cmpi ne, %convert_element_type3A_452, %cond3A_453 : i32
      scf.if %cond3A_454 {
        %get3A_455 = arith.index_cast %add3A_449 : i32 to index
        %get3A_456 = arith.constant 0 : index
        %get3A_457 = tpu.vector_load %arg6[%get3A_455, %get3A_456] {strides = array<i32>} : memref<80x128xi32, #tpu.memory_space<vmem>>, vector<1x16xi32>,
        %get3A_458 = vector.shape_cast %get3A_457 : vector<1x16xi32> to vector<16xi32>
        %and3A_459 = arith.constant 65535 : i32
        %and3A_460 = vector.broadcast %and3A_459 : i32 to vector<16xi32>
        %and3A_461 = arith.andi %get3A_458, %and3A_460 : vector<16xi32>
        %swap3A_462 = arith.constant 1 : i32
        %swap3A_463 = arith.index_cast %swap3A_462 : i32 to index
        %swap3A_464 = arith.constant 0 : index
        %swap3A_465 = tpu.vector_load %arg7[%swap3A_463, %swap3A_464] {strides = array<i32>} : memref<2x128xi32, #tpu.memory_space<vmem>>, vector<1x16xi32>,
        %swap3A_466 = vector.shape_cast %swap3A_465 : vector<1x16xi32> to vector<16xi32>
        %swap3A_467 = vector.shape_cast %and3A_461 : vector<16xi32> to vector<1x16xi32>
        tpu.vector_store %arg7[%swap3A_463, %swap3A_464], %swap3A_467 {strides = array<i32>} : memref<2x128xi32, #tpu.memory_space<vmem>>, vector<1x16xi32>,
        %shift_right_logical3A_468 = arith.constant 16 : i32
        %shift_right_logical3A_469 = vector.broadcast %shift_right_logical3A_468 : i32 to vector<16xi32>
        %shift_right_logical3A_470 = arith.shrui %get3A_458, %shift_right_logical3A_469 : vector<16xi32>
        %swap3A_471 = arith.constant 1 : i32
        %swap3A_472 = arith.index_cast %swap3A_471 : i32 to index
        %swap3A_473 = arith.constant 0 : index
        %swap3A_474 = tpu.vector_load %arg8[%swap3A_472, %swap3A_473] {strides = array<i32>} : memref<2x128xi32, #tpu.memory_space<vmem>>, vector<1x16xi32>,
        %swap3A_475 = vector.shape_cast %swap3A_474 : vector<1x16xi32> to vector<16xi32>
        %swap3A_476 = vector.shape_cast %shift_right_logical3A_470 : vector<16xi32> to vector<1x16xi32>
        tpu.vector_store %arg8[%swap3A_472, %swap3A_473], %swap3A_476 {strides = array<i32>} : memref<2x128xi32, #tpu.memory_space<vmem>>, vector<1x16xi32>,
        %get3A_477 = arith.index_cast %add3A_449 : i32 to index
        %get3A_478 = arith.constant 16 : index
        %get3A_479 = tpu.vector_load %arg6[%get3A_477, %get3A_478] {strides = array<i32>} : memref<80x128xi32, #tpu.memory_space<vmem>>, vector<1x16xi32>,
        %get3A_480 = vector.shape_cast %get3A_479 : vector<1x16xi32> to vector<16xi32>
        %and3A_481 = arith.constant 65535 : i32
        %and3A_482 = vector.broadcast %and3A_481 : i32 to vector<16xi32>
        %and3A_483 = arith.andi %get3A_480, %and3A_482 : vector<16xi32>
        %swap3A_484 = arith.constant 1 : i32
        %swap3A_485 = arith.index_cast %swap3A_484 : i32 to index
        %swap3A_486 = arith.constant 16 : index
        %swap3A_487 = tpu.vector_load %arg7[%swap3A_485, %swap3A_486] {strides = array<i32>} : memref<2x128xi32, #tpu.memory_space<vmem>>, vector<1x16xi32>,
        %swap3A_488 = vector.shape_cast %swap3A_487 : vector<1x16xi32> to vector<16xi32>
        %swap3A_489 = vector.shape_cast %and3A_483 : vector<16xi32> to vector<1x16xi32>
        tpu.vector_store %arg7[%swap3A_485, %swap3A_486], %swap3A_489 {strides = array<i32>} : memref<2x128xi32, #tpu.memory_space<vmem>>, vector<1x16xi32>,
        %shift_right_logical3A_490 = arith.constant 16 : i32
        %shift_right_logical3A_491 = vector.broadcast %shift_right_logical3A_490 : i32 to vector<16xi32>
        %shift_right_logical3A_492 = arith.shrui %get3A_480, %shift_right_logical3A_491 : vector<16xi32>
        %swap3A_493 = arith.constant 1 : i32
        %swap3A_494 = arith.index_cast %swap3A_493 : i32 to index
        %swap3A_495 = arith.constant 16 : index
        %swap3A_496 = tpu.vector_load %arg8[%swap3A_494, %swap3A_495] {strides = array<i32>} : memref<2x128xi32, #tpu.memory_space<vmem>>, vector<1x16xi32>,
        %swap3A_497 = vector.shape_cast %swap3A_496 : vector<1x16xi32> to vector<16xi32>
        %swap3A_498 = vector.shape_cast %shift_right_logical3A_492 : vector<16xi32> to vector<1x16xi32>
        tpu.vector_store %arg8[%swap3A_494, %swap3A_495], %swap3A_498 {strides = array<i32>} : memref<2x128xi32, #tpu.memory_space<vmem>>, vector<1x16xi32>,
        %get3A_499 = arith.index_cast %add3A_449 : i32 to index
        %get3A_500 = arith.constant 32 : index
        %get3A_501 = tpu.vector_load %arg6[%get3A_499, %get3A_500] {strides = array<i32>} : memref<80x128xi32, #tpu.memory_space<vmem>>, vector<1x16xi32>,
        %get3A_502 = vector.shape_cast %get3A_501 : vector<1x16xi32> to vector<16xi32>
        %and3A_503 = arith.constant 65535 : i32
        %and3A_504 = vector.broadcast %and3A_503 : i32 to vector<16xi32>
        %and3A_505 = arith.andi %get3A_502, %and3A_504 : vector<16xi32>
        %swap3A_506 = arith.constant 1 : i32
        %swap3A_507 = arith.index_cast %swap3A_506 : i32 to index
        %swap3A_508 = arith.constant 32 : index
        %swap3A_509 = tpu.vector_load %arg7[%swap3A_507, %swap3A_508] {strides = array<i32>} : memref<2x128xi32, #tpu.memory_space<vmem>>, vector<1x16xi32>,
        %swap3A_510 = vector.shape_cast %swap3A_509 : vector<1x16xi32> to vector<16xi32>
        %swap3A_511 = vector.shape_cast %and3A_505 : vector<16xi32> to vector<1x16xi32>
        tpu.vector_store %arg7[%swap3A_507, %swap3A_508], %swap3A_511 {strides = array<i32>} : memref<2x128xi32, #tpu.memory_space<vmem>>, vector<1x16xi32>,
        %shift_right_logical3A_512 = arith.constant 16 : i32
        %shift_right_logical3A_513 = vector.broadcast %shift_right_logical3A_512 : i32 to vector<16xi32>
        %shift_right_logical3A_514 = arith.shrui %get3A_502, %shift_right_logical3A_513 : vector<16xi32>
        %swap3A_515 = arith.constant 1 : i32
        %swap3A_516 = arith.index_cast %swap3A_515 : i32 to index
        %swap3A_517 = arith.constant 32 : index
        %swap3A_518 = tpu.vector_load %arg8[%swap3A_516, %swap3A_517] {strides = array<i32>} : memref<2x128xi32, #tpu.memory_space<vmem>>, vector<1x16xi32>,
        %swap3A_519 = vector.shape_cast %swap3A_518 : vector<1x16xi32> to vector<16xi32>
        %swap3A_520 = vector.shape_cast %shift_right_logical3A_514 : vector<16xi32> to vector<1x16xi32>
        tpu.vector_store %arg8[%swap3A_516, %swap3A_517], %swap3A_520 {strides = array<i32>} : memref<2x128xi32, #tpu.memory_space<vmem>>, vector<1x16xi32>,
        %get3A_521 = arith.index_cast %add3A_449 : i32 to index
        %get3A_522 = arith.constant 48 : index
        %get3A_523 = tpu.vector_load %arg6[%get3A_521, %get3A_522] {strides = array<i32>} : memref<80x128xi32, #tpu.memory_space<vmem>>, vector<1x16xi32>,
        %get3A_524 = vector.shape_cast %get3A_523 : vector<1x16xi32> to vector<16xi32>
        %and3A_525 = arith.constant 65535 : i32
        %and3A_526 = vector.broadcast %and3A_525 : i32 to vector<16xi32>
        %and3A_527 = arith.andi %get3A_524, %and3A_526 : vector<16xi32>
        %swap3A_528 = arith.constant 1 : i32
        %swap3A_529 = arith.index_cast %swap3A_528 : i32 to index
        %swap3A_530 = arith.constant 48 : index
        %swap3A_531 = tpu.vector_load %arg7[%swap3A_529, %swap3A_530] {strides = array<i32>} : memref<2x128xi32, #tpu.memory_space<vmem>>, vector<1x16xi32>,
        %swap3A_532 = vector.shape_cast %swap3A_531 : vector<1x16xi32> to vector<16xi32>
        %swap3A_533 = vector.shape_cast %and3A_527 : vector<16xi32> to vector<1x16xi32>
        tpu.vector_store %arg7[%swap3A_529, %swap3A_530], %swap3A_533 {strides = array<i32>} : memref<2x128xi32, #tpu.memory_space<vmem>>, vector<1x16xi32>,
        %shift_right_logical3A_534 = arith.constant 16 : i32
        %shift_right_logical3A_535 = vector.broadcast %shift_right_logical3A_534 : i32 to vector<16xi32>
        %shift_right_logical3A_536 = arith.shrui %get3A_524, %shift_right_logical3A_535 : vector<16xi32>
        %swap3A_537 = arith.constant 1 : i32
        %swap3A_538 = arith.index_cast %swap3A_537 : i32 to index
        %swap3A_539 = arith.constant 48 : index
        %swap3A_540 = tpu.vector_load %arg8[%swap3A_538, %swap3A_539] {strides = array<i32>} : memref<2x128xi32, #tpu.memory_space<vmem>>, vector<1x16xi32>,
        %swap3A_541 = vector.shape_cast %swap3A_540 : vector<1x16xi32> to vector<16xi32>
        %swap3A_542 = vector.shape_cast %shift_right_logical3A_536 : vector<16xi32> to vector<1x16xi32>
        tpu.vector_store %arg8[%swap3A_538, %swap3A_539], %swap3A_542 {strides = array<i32>} : memref<2x128xi32, #tpu.memory_space<vmem>>, vector<1x16xi32>,
        %get3A_543 = arith.index_cast %add3A_449 : i32 to index
        %get3A_544 = arith.constant 64 : index
        %get3A_545 = tpu.vector_load %arg6[%get3A_543, %get3A_544] {strides = array<i32>} : memref<80x128xi32, #tpu.memory_space<vmem>>, vector<1x16xi32>,
        %get3A_546 = vector.shape_cast %get3A_545 : vector<1x16xi32> to vector<16xi32>
        %and3A_547 = arith.constant 65535 : i32
        %and3A_548 = vector.broadcast %and3A_547 : i32 to vector<16xi32>
        %and3A_549 = arith.andi %get3A_546, %and3A_548 : vector<16xi32>
        %swap3A_550 = arith.constant 1 : i32
        %swap3A_551 = arith.index_cast %swap3A_550 : i32 to index
        %swap3A_552 = arith.constant 64 : index
        %swap3A_553 = tpu.vector_load %arg7[%swap3A_551, %swap3A_552] {strides = array<i32>} : memref<2x128xi32, #tpu.memory_space<vmem>>, vector<1x16xi32>,
        %swap3A_554 = vector.shape_cast %swap3A_553 : vector<1x16xi32> to vector<16xi32>
        %swap3A_555 = vector.shape_cast %and3A_549 : vector<16xi32> to vector<1x16xi32>
        tpu.vector_store %arg7[%swap3A_551, %swap3A_552], %swap3A_555 {strides = array<i32>} : memref<2x128xi32, #tpu.memory_space<vmem>>, vector<1x16xi32>,
        %shift_right_logical3A_556 = arith.constant 16 : i32
        %shift_right_logical3A_557 = vector.broadcast %shift_right_logical3A_556 : i32 to vector<16xi32>
        %shift_right_logical3A_558 = arith.shrui %get3A_546, %shift_right_logical3A_557 : vector<16xi32>
        %swap3A_559 = arith.constant 1 : i32
        %swap3A_560 = arith.index_cast %swap3A_559 : i32 to index
        %swap3A_561 = arith.constant 64 : index
        %swap3A_562 = tpu.vector_load %arg8[%swap3A_560, %swap3A_561] {strides = array<i32>} : memref<2x128xi32, #tpu.memory_space<vmem>>, vector<1x16xi32>,
        %swap3A_563 = vector.shape_cast %swap3A_562 : vector<1x16xi32> to vector<16xi32>
        %swap3A_564 = vector.shape_cast %shift_right_logical3A_558 : vector<16xi32> to vector<1x16xi32>
        tpu.vector_store %arg8[%swap3A_560, %swap3A_561], %swap3A_564 {strides = array<i32>} : memref<2x128xi32, #tpu.memory_space<vmem>>, vector<1x16xi32>,
        %get3A_565 = arith.index_cast %add3A_449 : i32 to index
        %get3A_566 = arith.constant 80 : index
        %get3A_567 = tpu.vector_load %arg6[%get3A_565, %get3A_566] {strides = array<i32>} : memref<80x128xi32, #tpu.memory_space<vmem>>, vector<1x16xi32>,
        %get3A_568 = vector.shape_cast %get3A_567 : vector<1x16xi32> to vector<16xi32>
        %and3A_569 = arith.constant 65535 : i32
        %and3A_570 = vector.broadcast %and3A_569 : i32 to vector<16xi32>
        %and3A_571 = arith.andi %get3A_568, %and3A_570 : vector<16xi32>
        %swap3A_572 = arith.constant 1 : i32
        %swap3A_573 = arith.index_cast %swap3A_572 : i32 to index
        %swap3A_574 = arith.constant 80 : index
        %swap3A_575 = tpu.vector_load %arg7[%swap3A_573, %swap3A_574] {strides = array<i32>} : memref<2x128xi32, #tpu.memory_space<vmem>>, vector<1x16xi32>,
        %swap3A_576 = vector.shape_cast %swap3A_575 : vector<1x16xi32> to vector<16xi32>
        %swap3A_577 = vector.shape_cast %and3A_571 : vector<16xi32> to vector<1x16xi32>
        tpu.vector_store %arg7[%swap3A_573, %swap3A_574], %swap3A_577 {strides = array<i32>} : memref<2x128xi32, #tpu.memory_space<vmem>>, vector<1x16xi32>,
        %shift_right_logical3A_578 = arith.constant 16 : i32
        %shift_right_logical3A_579 = vector.broadcast %shift_right_logical3A_578 : i32 to vector<16xi32>
        %shift_right_logical3A_580 = arith.shrui %get3A_568, %shift_right_logical3A_579 : vector<16xi32>
        %swap3A_581 = arith.constant 1 : i32
        %swap3A_582 = arith.index_cast %swap3A_581 : i32 to index
        %swap3A_583 = arith.constant 80 : index
        %swap3A_584 = tpu.vector_load %arg8[%swap3A_582, %swap3A_583] {strides = array<i32>} : memref<2x128xi32, #tpu.memory_space<vmem>>, vector<1x16xi32>,
        %swap3A_585 = vector.shape_cast %swap3A_584 : vector<1x16xi32> to vector<16xi32>
        %swap3A_586 = vector.shape_cast %shift_right_logical3A_580 : vector<16xi32> to vector<1x16xi32>
        tpu.vector_store %arg8[%swap3A_582, %swap3A_583], %swap3A_586 {strides = array<i32>} : memref<2x128xi32, #tpu.memory_space<vmem>>, vector<1x16xi32>,
        %get3A_587 = arith.index_cast %add3A_449 : i32 to index
        %get3A_588 = arith.constant 96 : index
        %get3A_589 = tpu.vector_load %arg6[%get3A_587, %get3A_588] {strides = array<i32>} : memref<80x128xi32, #tpu.memory_space<vmem>>, vector<1x16xi32>,
        %get3A_590 = vector.shape_cast %get3A_589 : vector<1x16xi32> to vector<16xi32>
        %and3A_591 = arith.constant 65535 : i32
        %and3A_592 = vector.broadcast %and3A_591 : i32 to vector<16xi32>
        %and3A_593 = arith.andi %get3A_590, %and3A_592 : vector<16xi32>
        %swap3A_594 = arith.constant 1 : i32
        %swap3A_595 = arith.index_cast %swap3A_594 : i32 to index
        %swap3A_596 = arith.constant 96 : index
        %swap3A_597 = tpu.vector_load %arg7[%swap3A_595, %swap3A_596] {strides = array<i32>} : memref<2x128xi32, #tpu.memory_space<vmem>>, vector<1x16xi32>,
        %swap3A_598 = vector.shape_cast %swap3A_597 : vector<1x16xi32> to vector<16xi32>
        %swap3A_599 = vector.shape_cast %and3A_593 : vector<16xi32> to vector<1x16xi32>
        tpu.vector_store %arg7[%swap3A_595, %swap3A_596], %swap3A_599 {strides = array<i32>} : memref<2x128xi32, #tpu.memory_space<vmem>>, vector<1x16xi32>,
        %shift_right_logical3A_600 = arith.constant 16 : i32
        %shift_right_logical3A_601 = vector.broadcast %shift_right_logical3A_600 : i32 to vector<16xi32>
        %shift_right_logical3A_602 = arith.shrui %get3A_590, %shift_right_logical3A_601 : vector<16xi32>
        %swap3A_603 = arith.constant 1 : i32
        %swap3A_604 = arith.index_cast %swap3A_603 : i32 to index
        %swap3A_605 = arith.constant 96 : index
        %swap3A_606 = tpu.vector_load %arg8[%swap3A_604, %swap3A_605] {strides = array<i32>} : memref<2x128xi32, #tpu.memory_space<vmem>>, vector<1x16xi32>,
        %swap3A_607 = vector.shape_cast %swap3A_606 : vector<1x16xi32> to vector<16xi32>
        %swap3A_608 = vector.shape_cast %shift_right_logical3A_602 : vector<16xi32> to vector<1x16xi32>
        tpu.vector_store %arg8[%swap3A_604, %swap3A_605], %swap3A_608 {strides = array<i32>} : memref<2x128xi32, #tpu.memory_space<vmem>>, vector<1x16xi32>,
        %get3A_609 = arith.index_cast %add3A_449 : i32 to index
        %get3A_610 = arith.constant 112 : index
        %get3A_611 = tpu.vector_load %arg6[%get3A_609, %get3A_610] {strides = array<i32>} : memref<80x128xi32, #tpu.memory_space<vmem>>, vector<1x16xi32>,
        %get3A_612 = vector.shape_cast %get3A_611 : vector<1x16xi32> to vector<16xi32>
        %and3A_613 = arith.constant 65535 : i32
        %and3A_614 = vector.broadcast %and3A_613 : i32 to vector<16xi32>
        %and3A_615 = arith.andi %get3A_612, %and3A_614 : vector<16xi32>
        %swap3A_616 = arith.constant 1 : i32
        %swap3A_617 = arith.index_cast %swap3A_616 : i32 to index
        %swap3A_618 = arith.constant 112 : index
        %swap3A_619 = tpu.vector_load %arg7[%swap3A_617, %swap3A_618] {strides = array<i32>} : memref<2x128xi32, #tpu.memory_space<vmem>>, vector<1x16xi32>,
        %swap3A_620 = vector.shape_cast %swap3A_619 : vector<1x16xi32> to vector<16xi32>
        %swap3A_621 = vector.shape_cast %and3A_615 : vector<16xi32> to vector<1x16xi32>
        tpu.vector_store %arg7[%swap3A_617, %swap3A_618], %swap3A_621 {strides = array<i32>} : memref<2x128xi32, #tpu.memory_space<vmem>>, vector<1x16xi32>,
        %shift_right_logical3A_622 = arith.constant 16 : i32
        %shift_right_logical3A_623 = vector.broadcast %shift_right_logical3A_622 : i32 to vector<16xi32>
        %shift_right_logical3A_624 = arith.shrui %get3A_612, %shift_right_logical3A_623 : vector<16xi32>
        %swap3A_625 = arith.constant 1 : i32
        %swap3A_626 = arith.index_cast %swap3A_625 : i32 to index
        %swap3A_627 = arith.constant 112 : index
        %swap3A_628 = tpu.vector_load %arg8[%swap3A_626, %swap3A_627] {strides = array<i32>} : memref<2x128xi32, #tpu.memory_space<vmem>>, vector<1x16xi32>,
        %swap3A_629 = vector.shape_cast %swap3A_628 : vector<1x16xi32> to vector<16xi32>
        %swap3A_630 = vector.shape_cast %shift_right_logical3A_624 : vector<16xi32> to vector<1x16xi32>
        tpu.vector_store %arg8[%swap3A_626, %swap3A_627], %swap3A_630 {strides = array<i32>} : memref<2x128xi32, #tpu.memory_space<vmem>>, vector<1x16xi32>,
        %dma_start3A_631 = arith.constant 1 : i32
        %dma_start3A_632 = arith.constant 1 : i32
        %dma_start3A_633 = arith.constant 1 : i32
        %dma_start3A_634 = arith.constant 0 : i32
        %dma_start3A_635 = arith.constant 0 : i32
        %dma_start3A_636 = arith.constant 0 : i32
        %dma_start3A_637 = tpu.memref_slice %arg9[%dma_start3A_632, %dma_start3A_635, %dma_start3A_636] : memref<2x128x128xf32, #tpu.memory_space<vmem>> -> memref<1x128x128xf32, #tpu.memory_space<vmem>>
        %dma_start3A_638 = tpu.memref_squeeze %dma_start3A_637 : memref<1x128x128xf32, #tpu.memory_space<vmem>> -> memref<128x128xf32, #tpu.memory_space<vmem>>
        %dma_start3A_639 = arith.constant 0 : i32
        %dma_start3A_640 = tpu.memref_slice %arg7[%dma_start3A_631, %dma_start3A_639] : memref<2x128xi32, #tpu.memory_space<vmem>> -> memref<1x128xi32, #tpu.memory_space<vmem>>
        %dma_start3A_641 = tpu.memref_squeeze %dma_start3A_640 : memref<1x128xi32, #tpu.memory_space<vmem>> -> memref<128xi32, #tpu.memory_space<vmem>>
        %dma_start3A_642 = arith.constant 0 : i32
        %dma_start3A_643 = arith.constant 0 : i32
        %dma_start3A_644 = tpu.memref_slice %arg3[%dma_start3A_642, %dma_start3A_643] : memref<20000x128xf32, #tpu.memory_space<hbm>> -> memref<20000x128xf32, #tpu.memory_space<hbm>>
        %dma_start3A_645 = tpu.memref_slice %arg11[%dma_start3A_633, %dma_start3A_634] : memref<2x4x!tpu.dma_semaphore, #tpu.memory_space<semaphore_mem>> -> memref<1x1x!tpu.dma_semaphore, #tpu.memory_space<semaphore_mem>>
        %dma_start3A_646 = tpu.memref_squeeze %dma_start3A_645 : memref<1x1x!tpu.dma_semaphore, #tpu.memory_space<semaphore_mem>> -> memref<!tpu.dma_semaphore, #tpu.memory_space<semaphore_mem>>
        tpu.enqueue_indirect_dma source(%dma_start3A_644 : memref<20000x128xf32, #tpu.memory_space<hbm>>) target(%dma_start3A_638 : memref<128x128xf32, #tpu.memory_space<vmem>>) offsets(%dma_start3A_641 : memref<128xi32, #tpu.memory_space<vmem>>) semaphore(%dma_start3A_646 : memref<!tpu.dma_semaphore, #tpu.memory_space<semaphore_mem>>)
      } else {
      }
    }
    %scan3A_402 = arith.constant 40 : i32
    %barrier3A_403 = arith.constant 0 : index
    tpu.barrier barrier_id(%barrier3A_403)
    "tpu.region"() ({
      %run_scoped3A = tpu.sem_alloc : memref<!tpu.dma_semaphore, #tpu.memory_space<semaphore_mem>>
      %dma_start3A_404 = arith.constant 0 : i32
      %dma_start3A_405 = tpu.memref_slice %arg5[%arg0, %mul3A_0, %dma_start3A_404] : memref<2x10240x128xf32, #tpu.memory_space<hbm>> -> memref<1x640x128xf32, #tpu.memory_space<hbm>>
      %dma_start3A_406 = tpu.memref_squeeze %dma_start3A_405 : memref<1x640x128xf32, #tpu.memory_space<hbm>> -> memref<640x128xf32, #tpu.memory_space<hbm>>
      %dma_start3A_407 = arith.constant 0 : i32
      %dma_start3A_408 = tpu.memref_slice %arg10[%mul3A_0, %dma_start3A_407] : memref<10240x128xf32, #tpu.memory_space<vmem_shared>> -> memref<640x128xf32, #tpu.memory_space<vmem_shared>>
      tpu.enqueue_dma source(%dma_start3A_408 : memref<640x128xf32, #tpu.memory_space<vmem_shared>>) target(%dma_start3A_406 : memref<640x128xf32, #tpu.memory_space<hbm>>) target_semaphore(%run_scoped3A : memref<!tpu.dma_semaphore, #tpu.memory_space<semaphore_mem>>)
      %dma_wait3A = arith.constant 0 : i32
      %dma_wait3A_409 = tpu.memref_slice %arg5[%arg0, %mul3A_0, %dma_wait3A] : memref<2x10240x128xf32, #tpu.memory_space<hbm>> -> memref<1x640x128xf32, #tpu.memory_space<hbm>>
      %dma_wait3A_410 = tpu.memref_squeeze %dma_wait3A_409 : memref<1x640x128xf32, #tpu.memory_space<hbm>> -> memref<640x128xf32, #tpu.memory_space<hbm>>
      %dma_wait3A_411 = arith.constant 0 : i32
      %dma_wait3A_412 = tpu.memref_slice %arg10[%mul3A_0, %dma_wait3A_411] : memref<10240x128xf32, #tpu.memory_space<vmem_shared>> -> memref<640x128xf32, #tpu.memory_space<vmem_shared>>
      tpu.wait_dma2 semaphore(%run_scoped3A : memref<!tpu.dma_semaphore, #tpu.memory_space<semaphore_mem>>) src(%dma_wait3A_412 : memref<640x128xf32, #tpu.memory_space<vmem_shared>>) dst(%dma_wait3A_410 : memref<640x128xf32, #tpu.memory_space<hbm>>)
      tpu.yield
    }) : () -> ()
    return
  }
}

module attributes {stable_mosaic.version = 14 : i64} {
  func.func @_mm_body(%arg0: i32, %arg1: memref<400x256xf32, #tpu.memory_space<vmem>>, %arg2: memref<256x256xf32, #tpu.memory_space<vmem>>, %arg3: memref<400x256xf32, #tpu.memory_space<vmem>>) attributes {dimension_semantics = [#tpu.dimension_semantics<arbitrary>], iteration_bounds = array<i64: 25>, scalar_prefetch = 0 : i64, scratch_operands = 0 : i64, tpu.core_type = #tpu.core_type<tc>, window_params = [{transform_indices = @transform_0, window_bounds = array<i64: 400, 256>}, {pipeline_mode = #tpu.pipeline_mode<synchronous>, transform_indices = @transform_1, window_bounds = array<i64: 256, 256>}, {transform_indices = @transform_2, window_bounds = array<i64: 400, 256>}]} {
    %get3A = arith.constant 0 : index
    %get3A_0 = arith.constant 0 : index
    %get3A_1 = vector.load %arg1[%get3A, %get3A_0] : memref<400x256xf32, #tpu.memory_space<vmem>>, vector<400x256xf32>
    %get3A_2 = arith.constant 0 : index
    %get3A_3 = arith.constant 0 : index
    %get3A_4 = vector.load %arg2[%get3A_2, %get3A_3] : memref<256x256xf32, #tpu.memory_space<vmem>>, vector<256x256xf32>
    %dot_general3A = arith.constant dense<0.000000e+00> : vector<400x256xf32>
    %dot_general3A_5 = tpu.matmul %get3A_1, %get3A_4, %dot_general3A {dimension_numbers = #tpu.dot_dimension_numbers<[1], [0], [0], [1], [0, 0, 1, 1], [], []>, transpose_lhs_hint = false} : vector<400x256xf32>, vector<256x256xf32>, vector<400x256xf32> -> vector<400x256xf32>
    %swap3A = arith.constant 0 : index
    %swap3A_6 = arith.constant 0 : index
    %swap3A_7 = vector.load %arg3[%swap3A, %swap3A_6] : memref<400x256xf32, #tpu.memory_space<vmem>>, vector<400x256xf32>
    tpu.vector_store %arg3[%swap3A, %swap3A_6], %dot_general3A_5 {strides = array<i32>} : memref<400x256xf32, #tpu.memory_space<vmem>>, vector<400x256xf32>,
    return
  }
  func.func @transform_0(%arg0: i32) -> (i32, i32) {
    %c0_i32 = arith.constant 0 : i32
    %c0_i32_0 = arith.constant 0 : i32
    return %arg0, %c0_i32 : i32, i32
  }
  func.func @transform_1(%arg0: i32) -> (i32, i32) {
    %c0_i32 = arith.constant 0 : i32
    %c0_i32_0 = arith.constant 0 : i32
    %c0_i32_1 = arith.constant 0 : i32
    return %c0_i32, %c0_i32_0 : i32, i32
  }
  func.func @transform_2(%arg0: i32) -> (i32, i32) {
    %c0_i32 = arith.constant 0 : i32
    %c0_i32_0 = arith.constant 0 : i32
    return %arg0, %c0_i32 : i32, i32
  }
}

module attributes {stable_mosaic.version = 14 : i64} {
  func.func @_scale_body(%arg0: i32, %arg1: memref<400x256xf32, #tpu.memory_space<vmem>>, %arg2: memref<400x2xf32, #tpu.memory_space<vmem>>, %arg3: memref<2x400x128xf32, #tpu.memory_space<vmem>>) attributes {dimension_semantics = [#tpu.dimension_semantics<arbitrary>], iteration_bounds = array<i64: 25>, scalar_prefetch = 0 : i64, scratch_operands = 0 : i64, tpu.core_type = #tpu.core_type<tc>, window_params = [{transform_indices = @transform_0, window_bounds = array<i64: 400, 256>}, {transform_indices = @transform_1, window_bounds = array<i64: 400, 2>}, {transform_indices = @transform_2, window_bounds = array<i64: 2, 400, 128>}]} {
    %get3A = arith.constant 0 : index
    %get3A_0 = arith.constant 0 : index
    %get3A_1 = vector.load %arg2[%get3A, %get3A_0] : memref<400x2xf32, #tpu.memory_space<vmem>>, vector<400x1xf32>
    %get3A_2 = vector.shape_cast %get3A_1 : vector<400x1xf32> to vector<400xf32>
    %get3A_3 = arith.constant 0 : index
    %get3A_4 = arith.constant 1 : index
    %get3A_5 = vector.load %arg2[%get3A_3, %get3A_4] : memref<400x2xf32, #tpu.memory_space<vmem>>, vector<400x1xf32>
    %get3A_6 = vector.shape_cast %get3A_5 : vector<400x1xf32> to vector<400xf32>
    %add3A = arith.addf %get3A_2, %get3A_6 : vector<400xf32>
    %add3A_7 = arith.constant 1.000000e+00 : f32
    %add3A_8 = vector.broadcast %add3A_7 : f32 to vector<400xf32>
    %add3A_9 = arith.addf %add3A, %add3A_8 : vector<400xf32>
    %rsqrt3A = math.rsqrt %add3A_9 : vector<400xf32>
    %broadcast_in_dim3A = vector.shape_cast %rsqrt3A : vector<400xf32> to vector<400x1xf32>
    %get3A_10 = arith.constant 0 : index
    %get3A_11 = arith.constant 0 : index
    %get3A_12 = vector.load %arg1[%get3A_10, %get3A_11] : memref<400x256xf32, #tpu.memory_space<vmem>>, vector<400x256xf32>
    %slice3A = vector.extract_strided_slice %get3A_12 {offsets = [0, 0], sizes = [400, 128], strides = [1, 1]} : vector<400x256xf32> to vector<400x128xf32>
    %mul3A = vector.broadcast %broadcast_in_dim3A : vector<400x1xf32> to vector<400x128xf32>
    %mul3A_13 = arith.mulf %slice3A, %mul3A : vector<400x128xf32>
    %swap3A = arith.constant 0 : index
    %swap3A_14 = arith.constant 0 : index
    %swap3A_15 = arith.constant 0 : index
    %swap3A_16 = vector.load %arg3[%swap3A, %swap3A_14, %swap3A_15] : memref<2x400x128xf32, #tpu.memory_space<vmem>>, vector<1x400x128xf32>
    %swap3A_17 = vector.shape_cast %swap3A_16 : vector<1x400x128xf32> to vector<400x128xf32>
    %swap3A_18 = vector.shape_cast %mul3A_13 : vector<400x128xf32> to vector<1x400x128xf32>
    tpu.vector_store %arg3[%swap3A, %swap3A_14, %swap3A_15], %swap3A_18 {strides = array<i32>} : memref<2x400x128xf32, #tpu.memory_space<vmem>>, vector<1x400x128xf32>,
    %slice3A_19 = vector.extract_strided_slice %get3A_12 {offsets = [0, 128], sizes = [400, 128], strides = [1, 1]} : vector<400x256xf32> to vector<400x128xf32>
    %mul3A_20 = vector.broadcast %broadcast_in_dim3A : vector<400x1xf32> to vector<400x128xf32>
    %mul3A_21 = arith.mulf %slice3A_19, %mul3A_20 : vector<400x128xf32>
    %swap3A_22 = arith.constant 1 : index
    %swap3A_23 = arith.constant 0 : index
    %swap3A_24 = arith.constant 0 : index
    %swap3A_25 = vector.load %arg3[%swap3A_22, %swap3A_23, %swap3A_24] : memref<2x400x128xf32, #tpu.memory_space<vmem>>, vector<1x400x128xf32>
    %swap3A_26 = vector.shape_cast %swap3A_25 : vector<1x400x128xf32> to vector<400x128xf32>
    %swap3A_27 = vector.shape_cast %mul3A_21 : vector<400x128xf32> to vector<1x400x128xf32>
    tpu.vector_store %arg3[%swap3A_22, %swap3A_23, %swap3A_24], %swap3A_27 {strides = array<i32>} : memref<2x400x128xf32, #tpu.memory_space<vmem>>, vector<1x400x128xf32>,
    return
  }
  func.func @transform_0(%arg0: i32) -> (i32, i32) {
    %c0_i32 = arith.constant 0 : i32
    %c0_i32_0 = arith.constant 0 : i32
    return %arg0, %c0_i32 : i32, i32
  }
  func.func @transform_1(%arg0: i32) -> (i32, i32) {
    %c0_i32 = arith.constant 0 : i32
    %c0_i32_0 = arith.constant 0 : i32
    return %arg0, %c0_i32 : i32, i32
  }
  func.func @transform_2(%arg0: i32) -> (i32, i32, i32) {
    %c0_i32 = arith.constant 0 : i32
    %c0_i32_0 = arith.constant 0 : i32
    %c0_i32_1 = arith.constant 0 : i32
    return %c0_i32, %arg0, %c0_i32_0 : i32, i32, i32
  }
}

module attributes {stable_mosaic.version = 14 : i64} {
  func.func @_fin_body(%arg0: i32, %arg1: memref<2x400x128xf32, #tpu.memory_space<vmem>>, %arg2: memref<2x400x128xf32, #tpu.memory_space<vmem>>, %arg3: memref<400x2xf32, #tpu.memory_space<vmem>>, %arg4: memref<1x256xf32, #tpu.memory_space<vmem>>, %arg5: memref<400x256xf32, #tpu.memory_space<vmem>>) attributes {dimension_semantics = [#tpu.dimension_semantics<arbitrary>], iteration_bounds = array<i64: 25>, scalar_prefetch = 0 : i64, scratch_operands = 0 : i64, tpu.core_type = #tpu.core_type<tc>, window_params = [{transform_indices = @transform_0, window_bounds = array<i64: 2, 400, 128>}, {transform_indices = @transform_1, window_bounds = array<i64: 2, 400, 128>}, {transform_indices = @transform_2, window_bounds = array<i64: 400, 2>}, {pipeline_mode = #tpu.pipeline_mode<synchronous>, transform_indices = @transform_3, window_bounds = array<i64: 1, 256>}, {transform_indices = @transform_4, window_bounds = array<i64: 400, 256>}]} {
    %get3A = arith.constant 0 : index
    %get3A_0 = arith.constant 0 : index
    %get3A_1 = vector.load %arg3[%get3A, %get3A_0] : memref<400x2xf32, #tpu.memory_space<vmem>>, vector<400x1xf32>
    %get3A_2 = vector.shape_cast %get3A_1 : vector<400x1xf32> to vector<400xf32>
    %get3A_3 = arith.constant 0 : index
    %get3A_4 = arith.constant 1 : index
    %get3A_5 = vector.load %arg3[%get3A_3, %get3A_4] : memref<400x2xf32, #tpu.memory_space<vmem>>, vector<400x1xf32>
    %get3A_6 = vector.shape_cast %get3A_5 : vector<400x1xf32> to vector<400xf32>
    %add3A = arith.addf %get3A_2, %get3A_6 : vector<400xf32>
    %add3A_7 = arith.constant 1.000000e+00 : f32
    %add3A_8 = vector.broadcast %add3A_7 : f32 to vector<400xf32>
    %add3A_9 = arith.addf %add3A, %add3A_8 : vector<400xf32>
    %rsqrt3A = math.rsqrt %add3A_9 : vector<400xf32>
    %broadcast_in_dim3A = vector.shape_cast %rsqrt3A : vector<400xf32> to vector<400x1xf32>
    %get3A_10 = arith.constant 0 : index
    %get3A_11 = arith.constant 0 : index
    %get3A_12 = arith.constant 0 : index
    %get3A_13 = vector.load %arg1[%get3A_10, %get3A_11, %get3A_12] : memref<2x400x128xf32, #tpu.memory_space<vmem>>, vector<1x400x128xf32>
    %get3A_14 = vector.shape_cast %get3A_13 : vector<1x400x128xf32> to vector<400x128xf32>
    %get3A_15 = arith.constant 0 : index
    %get3A_16 = arith.constant 0 : index
    %get3A_17 = arith.constant 0 : index
    %get3A_18 = vector.load %arg2[%get3A_15, %get3A_16, %get3A_17] : memref<2x400x128xf32, #tpu.memory_space<vmem>>, vector<1x400x128xf32>
    %get3A_19 = vector.shape_cast %get3A_18 : vector<1x400x128xf32> to vector<400x128xf32>
    %add3A_20 = arith.addf %get3A_14, %get3A_19 : vector<400x128xf32>
    %mul3A = vector.broadcast %broadcast_in_dim3A : vector<400x1xf32> to vector<400x128xf32>
    %mul3A_21 = arith.mulf %mul3A, %add3A_20 : vector<400x128xf32>
    %get3A_22 = arith.constant 0 : index
    %get3A_23 = arith.constant 0 : index
    %get3A_24 = vector.load %arg4[%get3A_22, %get3A_23] : memref<1x256xf32, #tpu.memory_space<vmem>>, vector<1x128xf32>
    %get3A_25 = vector.shape_cast %get3A_24 : vector<1x128xf32> to vector<128xf32>
    %broadcast_in_dim3A_26 = vector.shape_cast %get3A_25 : vector<128xf32> to vector<1x128xf32>
    %add3A_27 = vector.broadcast %broadcast_in_dim3A_26 : vector<1x128xf32> to vector<400x128xf32>
    %add3A_28 = arith.addf %mul3A_21, %add3A_27 : vector<400x128xf32>
    %get3A_29 = arith.constant 1 : index
    %get3A_30 = arith.constant 0 : index
    %get3A_31 = arith.constant 0 : index
    %get3A_32 = vector.load %arg1[%get3A_29, %get3A_30, %get3A_31] : memref<2x400x128xf32, #tpu.memory_space<vmem>>, vector<1x400x128xf32>
    %get3A_33 = vector.shape_cast %get3A_32 : vector<1x400x128xf32> to vector<400x128xf32>
    %get3A_34 = arith.constant 1 : index
    %get3A_35 = arith.constant 0 : index
    %get3A_36 = arith.constant 0 : index
    %get3A_37 = vector.load %arg2[%get3A_34, %get3A_35, %get3A_36] : memref<2x400x128xf32, #tpu.memory_space<vmem>>, vector<1x400x128xf32>
    %get3A_38 = vector.shape_cast %get3A_37 : vector<1x400x128xf32> to vector<400x128xf32>
    %add3A_39 = arith.addf %get3A_33, %get3A_38 : vector<400x128xf32>
    %mul3A_40 = vector.broadcast %broadcast_in_dim3A : vector<400x1xf32> to vector<400x128xf32>
    %mul3A_41 = arith.mulf %mul3A_40, %add3A_39 : vector<400x128xf32>
    %get3A_42 = arith.constant 0 : index
    %get3A_43 = arith.constant 128 : index
    %get3A_44 = vector.load %arg4[%get3A_42, %get3A_43] : memref<1x256xf32, #tpu.memory_space<vmem>>, vector<1x128xf32>
    %get3A_45 = vector.shape_cast %get3A_44 : vector<1x128xf32> to vector<128xf32>
    %broadcast_in_dim3A_46 = vector.shape_cast %get3A_45 : vector<128xf32> to vector<1x128xf32>
    %add3A_47 = vector.broadcast %broadcast_in_dim3A_46 : vector<1x128xf32> to vector<400x128xf32>
    %add3A_48 = arith.addf %mul3A_41, %add3A_47 : vector<400x128xf32>
    %concatenate3A = tpu.concatenate %add3A_28, %add3A_48 in 1 : vector<400x128xf32>, vector<400x128xf32> -> vector<400x256xf32>
    %swap3A = arith.constant 0 : index
    %swap3A_49 = arith.constant 0 : index
    %swap3A_50 = vector.load %arg5[%swap3A, %swap3A_49] : memref<400x256xf32, #tpu.memory_space<vmem>>, vector<400x256xf32>
    tpu.vector_store %arg5[%swap3A, %swap3A_49], %concatenate3A {strides = array<i32>} : memref<400x256xf32, #tpu.memory_space<vmem>>, vector<400x256xf32>,
    return
  }
  func.func @transform_0(%arg0: i32) -> (i32, i32, i32) {
    %c0_i32 = arith.constant 0 : i32
    %c0_i32_0 = arith.constant 0 : i32
    %c0_i32_1 = arith.constant 0 : i32
    return %c0_i32, %arg0, %c0_i32_0 : i32, i32, i32
  }
  func.func @transform_1(%arg0: i32) -> (i32, i32, i32) {
    %c0_i32 = arith.constant 0 : i32
    %c0_i32_0 = arith.constant 0 : i32
    %c0_i32_1 = arith.constant 0 : i32
    return %c0_i32, %arg0, %c0_i32_0 : i32, i32, i32
  }
  func.func @transform_2(%arg0: i32) -> (i32, i32) {
    %c0_i32 = arith.constant 0 : i32
    %c0_i32_0 = arith.constant 0 : i32
    return %arg0, %c0_i32 : i32, i32
  }
  func.func @transform_3(%arg0: i32) -> (i32, i32) {
    %c0_i32 = arith.constant 0 : i32
    %c0_i32_0 = arith.constant 0 : i32
    %c0_i32_1 = arith.constant 0 : i32
    return %c0_i32, %c0_i32_0 : i32, i32
  }
  func.func @transform_4(%arg0: i32) -> (i32, i32) {
    %c0_i32 = arith.constant 0 : i32
    %c0_i32_0 = arith.constant 0 : i32
    return %arg0, %c0_i32 : i32, i32
  }
}

</mosaic_0001>

<sc_bundles>
// kernel: kernel.10.cloned.1.call-start
scs
__scs_entry_jumppad:
0x0: {  	(pc) =	sbr.rel $0x88, $3  }
0x1: {  	(tag) =	ssettag $0x0;
	lr =	simm.s32 $0x1  }
0x2: {  	[smem:$0x3F9D] =	sst lr;
	_ =	strace $0xD0000000  }
0x3: {  	_ = 	snop  }
0x4: {  	_ = 	snop  }
0x5: {  	_ = 	snop  }
0x6: {  	_ = 	snop  }
0x7: {  	_ = 	snop  }
__scs_overlays_trampoline_lowered:
0x8: {  	[smem:$0x3FAC] =	sst s0  }
0x9: {  	[smem:$0x3FAD] =	sst s1  }
0xa: {  	[smem:$0x3FAE] =	sst s2  }
0xb: {  	[smem:$0x3FAF] =	sst s3  }
0xc: {  	[smem:$0x3FB0] =	sst s4  }
0xd: {  	[smem:$0x3FB1] =	sst s5  }
0xe: {  	[smem:$0x3FB2] =	sst s6  }
0xf: {  	[smem:$0x3FB3] =	sst s7  }
0x10: {  	[smem:$0x3FB4] =	sst s8  }
0x11: {  	[smem:$0x3FB5] =	sst s9;
	s0 =	simm.s32 @!p0 $0x0  }
0x12: {  	s1 =	sld [smem:$0x3F9B];
	s0 =	simm.s32 @p0 $0x1  }
0x13: {  	[smem:$0x3FB6] =	sst s0;
	s0 =	simm.s32 @!p1 $0x0  }
0x14: {  	s2 =	sld [smem:$0x3F9A];
	s0 =	simm.s32 @p1 $0x1  }
0x15: {  	[smem:$0x3FB7] =	sst s0;
	s0 =	simm.s32 @!p2 $0x0  }
0x16: {  	s3 =	sld [smem:$0x3FDB];
	s0 =	simm.s32 @p2 $0x1  }
0x17: {  	s4 =	simm.s32 $0x1BF5;
	[smem:$0x3FB9] =	sst s0  }
0x18: {  	s0 =	sld [smem:$0x3F9C];
	_ =	swait.ge [sflag:s4], $0x0  }
0x19: {  	s7 =	sld [smem:$0x3F9D]  }
0x1a: {  	s8 =	sadd.s32 $0xFFFFE003, lr  }
0x1b: {  	s9 =	sadd.s32 $0xFFFFFEF7, lr;
	s5 =	simm.s32 $0xFFFFFFFF;
	p2 =	slt.u32 s8, $0xFFFFF086  }
0x1c: {  	p1 =	slt.u32 s9, $0xF7A;
	s5 =	simm.s32 @!p2 $0x0  }
0x1d: {  	s5 =	simm.s32 @p1 $0x1;
	p0 =	seq.s32 s7, s2  }
0x1e: {  	s7 =	smul.u32 @!p0 $0xF7A, s2;
	p2 =	seq.s32 @!p0 s5, $0x0  }
0x1f: {  	s9 =	smul.u32 $0xF7A, s1;
	s8 =	simm.s32 @!p0 $0x1BF5;
	p2 =	por !p2, p0  }
0x20: {  	[sflag:s8] =	ssyncset.s32 @!p0 $0xFFFFF086;
	s6 =	sadd.s32 @!p0 s3, s7;
	s7 =	simm.s32 @!p0 $0x108  }
0x21: {  	s3 =	sadd.s32 s3, s9;
	s6 =	sadd.s32 @!p0 $0x88, s6;
	s7 =	simm.s32 @p2 $0x1082  }
0x22: {  	[simem:s7], [sflag:s8] =	dma.local @!p0 [hbm:s6], $0xF7A  }
0x23: {  	s9 =	sor.u32 $0xD0000000, s2;
	s6 =	simm.s32 $0x108;
	_ =	swait.ge @!p0 [sflag:s8], $0x0  }
0x24: {  	s3 =	sadd.s32 $0x88, s3;
	s6 =	simm.s32 @!p1 $0x1082;
	[sflag:s4] =	ssyncset.s32 $0xFFFFF086  }
0x25: {  	[simem:s6], [sflag:s4] =	dma.local [hbm:s3], $0xF7A  }
0x26: {  	[smem:$0x3F9D] =	sst s1;
	(tag) =	ssettag s2;
	_ =	strace s9  }
0x27: {  	s1 =	sld [smem:$0x3FAD]  }
0x28: {  	s2 =	sld [smem:$0x3FAE]  }
0x29: {  	s4 =	sld [smem:$0x3FB0]  }
0x2a: {  	p0 =	seq.s32 s5, $0x0;
	s5 =	sld [smem:$0x3FB1]  }
0x2b: {  	s6 =	sld [smem:$0x3FB2]  }
0x2c: {  	s7 =	sld [smem:$0x3FB3]  }
0x2d: {  	s3 =	simm.s32 $0x108;
	s8 =	sld [smem:$0x3FB4]  }
0x2e: {  	s3 =	simm.s32 @!p0 $0x1082;
	s9 =	sld [smem:$0x3FB5]  }
0x2f: {  	lr =	sadd.s32 s0, s3;
	s0 =	sld [smem:$0x3FAC]  }
0x30: {  	s3 =	sld [smem:$0x3FAF]  }
0x31: {  	[smem:$0x3FB8] =	sst s10  }
0x32: {  	s10 =	sld [smem:$0x3FB6];
	_ =	sdelay $0x3  }
0x33: {  	p0 =	seq.s32 s10, $0x1;
	s10 =	sld [smem:$0x3FB8];
	_ =	sdelay $0x3  }
0x34: {  	[smem:$0x3FB8] =	sst s10  }
0x35: {  	s10 =	sld [smem:$0x3FB7];
	_ =	sdelay $0x3  }
0x36: {  	p1 =	seq.s32 s10, $0x1;
	s10 =	sld [smem:$0x3FB8];
	_ =	sdelay $0x3  }
0x37: {  	[smem:$0x3FB8] =	sst s10  }
0x38: {  	s10 =	sld [smem:$0x3FB9]  }
0x39: {  	_ = 	snop;
	(pc) =	sbr.ind lr, $3  }
0x3a: {  	_ = 	snop  }
0x3b: {  	_ = 	snop  }
0x3c: {  	p2 =	seq.s32 s10, $0x1;
	s10 =	sld [smem:$0x3FB8]  }
0x3d: {  	_ =	shalt  }
0x3e: {  	_ =	shalt  }
0x3f: {  	_ =	shalt  }
0x40: {  	_ =	shalt  }
0x41: {  	_ =	shalt  }
0x42: {  	_ =	shalt  }
0x43: {  	_ =	shalt  }
0x44: {  	_ =	shalt  }
0x45: {  	_ =	shalt  }
0x46: {  	_ =	shalt  }
0x47: {  	_ =	shalt  }
0x48: {  	_ =	shalt  }
0x49: {  	_ =	shalt  }
0x4a: {  	_ =	shalt  }
0x4b: {  	_ =	shalt  }
0x4c: {  	_ =	shalt  }
0x4d: {  	_ =	shalt  }
0x4e: {  	_ =	shalt  }
0x4f: {  	_ =	shalt  }
0x50: {  	_ =	shalt  }
0x51: {  	_ =	shalt  }
0x52: {  	_ =	shalt  }
0x53: {  	_ =	shalt  }
0x54: {  	_ =	shalt  }
0x55: {  	_ =	shalt  }
0x56: {  	_ =	shalt  }
0x57: {  	_ =	shalt  }
0x58: {  	_ =	shalt  }
0x59: {  	_ =	shalt  }
0x5a: {  	_ =	shalt  }
0x5b: {  	_ =	shalt  }
0x5c: {  	_ =	shalt  }
0x5d: {  	_ =	shalt  }
0x5e: {  	_ =	shalt  }
0x5f: {  	_ =	shalt  }
0x60: {  	_ =	shalt  }
0x61: {  	_ =	shalt  }
0x62: {  	_ =	shalt  }
0x63: {  	_ =	shalt  }
0x64: {  	_ =	shalt  }
0x65: {  	_ =	shalt  }
0x66: {  	_ =	shalt  }
0x67: {  	_ =	shalt  }
0x68: {  	_ =	shalt  }
0x69: {  	_ =	shalt  }
0x6a: {  	_ =	shalt  }
0x6b: {  	_ =	shalt  }
0x6c: {  	_ =	shalt  }
0x6d: {  	_ =	shalt  }
0x6e: {  	_ =	shalt  }
0x6f: {  	_ =	shalt  }
0x70: {  	_ =	shalt  }
0x71: {  	_ =	shalt  }
0x72: {  	_ =	shalt  }
0x73: {  	_ =	shalt  }
0x74: {  	_ =	shalt  }
0x75: {  	_ =	shalt  }
0x76: {  	_ =	shalt  }
0x77: {  	_ =	shalt  }
0x78: {  	_ =	shalt  }
0x79: {  	_ =	shalt  }
0x7a: {  	_ =	shalt  }
0x7b: {  	_ =	shalt  }
0x7c: {  	_ =	shalt  }
0x7d: {  	_ =	shalt  }
0x7e: {  	_ =	shalt  }
0x7f: {  	_ =	shalt  }
0x80: {  	_ =	shalt  }
0x81: {  	_ =	shalt  }
0x82: {  	_ =	shalt  }
0x83: {  	_ =	shalt  }
0x84: {  	_ =	shalt  }
0x85: {  	_ =	shalt  }
0x86: {  	_ =	shalt  }
0x87: {  	_ =	shalt  }
.Lfunc_end0:
.L_simem_size_0:
called_computation.1_lowered:
.L_overlay_start_0:
0x88: {  	s2 =	sld [smem:$0x3FD9]  }
0x89: {  	s3 =	sld [smem:$0x3FFE];
	_ =	sdelay $0x1  }
0x8a: {  	s1 =	srdreg.scid  }
0x8b: {  	s0 =	sand.u32 $0x1, s1  }
0x8c: {  	s17 =	sshll.u32 s0, $0xA;
	s2 =	sadd.s32 s3, s2  }
0x8d: {  	s2 =	sadd.s32 s2, s17  }
0x8e: {  	[smem:$0x3FC4] =	sst s2  }
0x8f: {  	_ = 	snop  }
0x90: {  	s2 =	sld [smem:$0x3FD0];
	(tm) =	ssettm $0x1  }
0x91: {  	s18 =	sld [smem:$0x3FFB];
	_ =	sdelay $0x3  }
0x92: {  	_ =	strace s18  }
0x93: {  	s3 =	sld [smem:$0x3FFC];
	_ =	sdelay $0x3  }
0x94: {  	_ =	strace s3  }
0x95: {  	s3 =	sld [smem:$0x3FFD];
	_ =	sdelay $0x3  }
0x96: {  	_ =	strace s3  }
0x97: {  	_ =	strace $0x8FFFFFFF  }
0x98: {  	s19 =	sld [smem:$0x3FDB];
	_ =	sdelay $0x1  }
0x99: {  	s4 =	simm.s32 $_scs_section_size  }
0x9a: {  	s5 =	simm.s32 $_size__tile_overlayer_lowered;
	s6 =	simm.s32 $_tile_overlayer_lowered  }
0x9b: {  	s22 =	simm.s32 $0x1BFF;
	s21 =	sshll.u32 s6, $0x1;
	s3 =	sadd.s32 s4, s19  }
0x9c: {  	s7 =	simm.s32 $0x0;
	s20 =	sshll.u32 s5, $0x1;
	s5 =	sadd.s32 s21, s3  }
0x9d: {  	[timem:s7], [sflag:s22] =	dma.local [hbm:s5], s20  }
0x9e: {  	_ =	swait.ge [sflag:s22], s20  }
0x9f: {  	s4 =	ssub.s32 $0x0, s20;
	[sflag:s22] =	ssyncset.done $0x0  }
0xa0: {  	[sflag:s22] =	ssyncadd.s32 s4;
	_ =	sdelay $0x1  }
0xa1: {  	s23 =	simm.s32 $0x1B8B  }
0xa2: {  	_ =	swait.ge [sflag:s23], $0x1  }
0xa3: {  	[sflag:s23] =	ssyncset.done $0x0  }
0xa4: {  	s25 =	simm.s32 $0x1B8E;
	s24 =	sld [smem:$0x3FFE];
	[sflag:s23] =	ssyncadd.s32 $0xFFFFFFFF  }
0xa5: {  	s26 =	simm.s32 $execute0_lowered;
	[smem:$0x3FD2] =	sst s25  }
0xa6: {  	s5 =	sshll.u32 s26, $0x1;
	_ =	strace $0x80000049;
	[dreg:$0x1] =	wrdreg $0xFFFFFFFF  }
0xa7: {  	s28 =	simm.s32 $_size_execute0_lowered;
	s3 =	sadd.s32 s3, s5;
	[dreg:$0x0] =	wrdreg $0x0  }
0xa8: {  	s5 =	sshll.u32 s28, $0x1;
	[dreg:$0x2] =	wrdreg s3  }
0xa9: {  	[dreg:$0x3] =	wrdreg s5  }
0xaa: {  	[dreg:$0x4] =	wrdreg $0xC0  }
0xab: {  	_ =	task [dreg:s7], $0x5FFFF  }
0xac: {  	[dreg:$0x1] =	wrdreg $0xFFFFFFFF  }
0xad: {  	[dreg:$0x0] =	wrdreg $0x60  }
0xae: {  	[dreg:$0x2] =	wrdreg s24  }
0xaf: {  	[dreg:$0x3] =	wrdreg s2  }
0xb0: {  	[dreg:$0x4] =	wrdreg $0xAA000  }
0xb1: {  	[dreg:$0x5] =	wrdreg $0x9  }
0xb2: {  	_ =	task.clear_ibuf [dreg:s7], $0x6FFFF;
	_ =	strace $0x90000049  }
0xb3: {  	s29 =	simm.s32 $0x9;
	_ =	strace $0x8000004B  }
0xb4: {  	_ =	swait.ge [sflag:s29], $0x1  }
0xb5: {  	[sflag:s29] =	ssyncadd.s32 $0xFFFFFFFF  }
0xb6: {  	_ =	strace $0x9000004B  }
0xb7: {  	_ =	sfence  }
0xb8: {  	s30 =	sld [smem:$0x0];
	_ =	sdelay $0x2  }
0xb9: {  	s31 =	sshll.u32 s1, $0xD;
	s1 =	sshrl.u32 s1, $0x2  }
0xba: {  	s3 =	sand.u32 $0x4000, s31;
	s1 =	sadd.s32 s1, s30  }
0xbb: {  	s0 =	sor.u32 s3, s0;
	s1 =	sshll.u32 s1, $0x11  }
0xbc: {  	s0 =	sor.u32 s1, s0  }
0xbd: {  	s0 =	sadd.s32 $0x8F2B, s0  }
0xbe: {  	[sflag:s0] =	ssyncadd.remote.s32 $0x1  }
0xbf: {  	_ =	sfence.sel $0xFFFF  }
0xc0: {  	[dreg:$0x0] =	wrdreg $0xFFFFFFFF;
	(pc) =	sbr.abs _section_cstart, $3  }
0xc1: {  	[dreg:$0x1] =	wrdreg $0xFFFFFFFF  }
0xc2: {  	_ =	task.clear_ibuf [dreg:s7], $0x2FFFF;
	_ =	strace $0x9FFFFFFF  }
0xc3: {  	(tm) =	ssettm $0x7FFFFFFF  }
tec
execute0_lowered:
.L_overlay_start_1:
0x0: {  	(tag) =	ssettag $0x1  }
0x1: {  	s6 =	rddreg [dreg:$0x0]  }
0x2: {  	s2 =	rddreg [dreg:$0x1]  }
0x3: {  	s3 =	rddreg [dreg:$0x2]  }
0x4: {  	s0 =	srdreg.scid;
	s1 =	rddreg [dreg:$0x3]  }
0x5: {  	s4 =	simm.s32 $0x0;
	s13 =	simm.s32 $0x2800;
	s14 =	simm.s32 $0x2A00  }
0x6: {  	s15 =	simm.s32 $0x2880;
	s16 =	simm.s32 $0x6A00;
	s7 =	sand.u32 $0x1, s0  }
0x7: {  	s17 =	simm.s32 $0x1;
	s0 =	stileid.u32;
	s5 =	smul.u32 $0x28000, s7  }
0x8: {  	s18 =	simm.s32 $0x2900;
	s19 =	simm.s32 $0x5;
	s8 =	smul.u32 $0x2800, s0  }
0x9: {  	s20 =	simm.s32 $0x2980;
	[smem:$0x7FF] =	sst s4;
	s9 =	smul.u32 $0x140000, s7  }
0xa: {  	s21 =	simm.s32 $0x0;
	s10 =	smul.u32 $0x14000, s0;
	_ =	strace $0x8000004A  }
0xb: {  	s30 =	smul.u32 $0x50000, s0;
	s31 =	ssub.s32 $0x2, s7;
	s11 =	sshll.u32 s0, $0x6  }
0xc: {  	s7 =	sshrl.u32 s31, $0x1;
	s5 =	sadd.s32 s8, s5;
	s28 =	sadd.s32 s10, s9  }
0xd: {  	s10 =	sshrl.u32 s30, $0x2;
	s12 =	ssub.s32 s31, s7;
	s5 =	sshrl.u32 s5, $0x3  }
0xe: {  	s8 =	sshrl.u32 s28, $0x3;
	s10 =	sadd.s32 s10, s3;
	s9 =	smax.u32 s12, $0x1  }
0xf: {  	s12 =	simm.s32 $0x80;
	s29 =	sadd.s32 s5, s6;
	s5 =	sadd.s32 $0x1A00, s6  }
0x10: {  	s8 =	sadd.s32 s8, s6;
	s6 =	sor.u32 $0x1C09, s11;
	s10 =	sshrl.u32 s10, $0x3  }
0x11: {  	s11 =	simm.s32 $0x9;
	s7 =	sadd.s32 $0x7800, s29;
	s8 =	sadd.s32 $0x11800, s8  }
.LBB2_1:
0x12: {  	[spmem:s10], [sflag:s6] =	dma.local [hbm:s5], $0x2800  }
0x13: {  	_ =	swait.ge [sflag:s11], $0x2800  }
0x14: {  	[sflag:s11] =	ssyncset.done $0x0  }
0x15: {  	[sflag:s11] =	ssyncadd.s32 $0xFFFFD800  }
0x16: {  	[tilespmem:s4], [sflag:$0x9] =	stream.linear.gather [hbm4b:s7+s4], $0x2800, $0x38;
	[tilespmem:$0x1EA00] =	vst v63  }
0x17: {  	_ =	swait.ge [sflag:s11], $0x2800  }
0x18: {  	[sflag:s11] =	ssyncset.done $0x0  }
0x19: {  	[sflag:s11] =	ssyncadd.s32 $0xFFFFD800  }
0x1a: {  	[bflag:$0x0] =	sbarrier.arrive $0xFFFF  }
0x1b: {  	v0 =	vld [tilespmem:$0x0];
	_ =	sdelay $0x1  }
0x1c: {  	v1 =	vld [tilespmem:$0x10];
	_ =	sdelay $0x1  }
0x1d: {  	v2 =	vld [tilespmem:$0x20]  }
0x1e: {  	v3 =	vand.u32 $0xFFFF, v0  }
0x1f: {  	v0 =	vshrl.u32 v0, $0x10;
	[tilespmem:$0x2800] =	vst v3;
	v3 =	vld [tilespmem:$0x30]  }
0x20: {  	[tilespmem:$0x2900] =	vst v0;
	v0 =	vand.u32 $0xFFFF, v1  }
0x21: {  	[tilespmem:$0x2810] =	vst v0;
	v0 =	vshrl.u32 v1, $0x10;
	v1 =	vld [tilespmem:$0x40]  }
0x22: {  	[tilespmem:$0x2910] =	vst v0;
	v0 =	vand.u32 $0xFFFF, v2  }
0x23: {  	[tilespmem:$0x2820] =	vst v0;
	v0 =	vshrl.u32 v2, $0x10;
	v2 =	vld [tilespmem:$0x50]  }
0x24: {  	[tilespmem:$0x2920] =	vst v0;
	v0 =	vand.u32 $0xFFFF, v3  }
0x25: {  	[tilespmem:$0x2830] =	vst v0;
	v0 =	vshrl.u32 v3, $0x10;
	v3 =	vld [tilespmem:$0x60]  }
0x26: {  	[tilespmem:$0x2930] =	vst v0;
	v0 =	vand.u32 $0xFFFF, v1  }
0x27: {  	[tilespmem:$0x2840] =	vst v0;
	v0 =	vshrl.u32 v1, $0x10;
	v1 =	vld [tilespmem:$0x70]  }
0x28: {  	[tilespmem:$0x2940] =	vst v0;
	v0 =	vand.u32 $0xFFFF, v2  }
0x29: {  	[tilespmem:$0x2850] =	vst v0;
	v0 =	vshrl.u32 v2, $0x10  }
0x2a: {  	[tilespmem:$0x2950] =	vst v0;
	v0 =	vand.u32 $0xFFFF, v3  }
0x2b: {  	[tilespmem:$0x2860] =	vst v0;
	v0 =	vshrl.u32 v3, $0x10  }
0x2c: {  	[tilespmem:$0x2960] =	vst v0;
	v0 =	vand.u32 $0xFFFF, v1  }
0x2d: {  	[tilespmem:$0x2870] =	vst v0;
	v0 =	vshrl.u32 v1, $0x10  }
0x2e: {  	[tilespmem:$0x2970] =	vst v0  }
0x2f: {  	[tilespmem:s14], [sflag:$0x1] =	stream.indirect.gather [hbm4b:s2+s12], $0x80, s13, s12, $0xb8;
	[tilespmem:$0x1EA00] =	vst v63  }
0x30: {  	v0 =	vld [tilespmem:$0x80];
	_ =	sdelay $0x1  }
0x31: {  	v1 =	vld [tilespmem:$0x90];
	_ =	sdelay $0x1  }
0x32: {  	v2 =	vld [tilespmem:$0xA0]  }
0x33: {  	v3 =	vand.u32 $0xFFFF, v0  }
0x34: {  	v0 =	vshrl.u32 v0, $0x10;
	[tilespmem:$0x2880] =	vst v3;
	v3 =	vld [tilespmem:$0xB0]  }
0x35: {  	[tilespmem:$0x2980] =	vst v0;
	v0 =	vand.u32 $0xFFFF, v1  }
0x36: {  	[tilespmem:$0x2890] =	vst v0;
	v0 =	vshrl.u32 v1, $0x10;
	v1 =	vld [tilespmem:$0xC0]  }
0x37: {  	[tilespmem:$0x2990] =	vst v0;
	v0 =	vand.u32 $0xFFFF, v2  }
0x38: {  	[tilespmem:$0x28A0] =	vst v0;
	v0 =	vshrl.u32 v2, $0x10;
	v2 =	vld [tilespmem:$0xD0]  }
0x39: {  	[tilespmem:$0x29A0] =	vst v0;
	v0 =	vand.u32 $0xFFFF, v3  }
0x3a: {  	[tilespmem:$0x28B0] =	vst v0;
	v0 =	vshrl.u32 v3, $0x10;
	v3 =	vld [tilespmem:$0xE0]  }
0x3b: {  	[tilespmem:$0x29B0] =	vst v0;
	v0 =	vand.u32 $0xFFFF, v1  }
0x3c: {  	[tilespmem:$0x28C0] =	vst v0;
	v0 =	vshrl.u32 v1, $0x10;
	v1 =	vld [tilespmem:$0xF0]  }
0x3d: {  	[tilespmem:$0x29C0] =	vst v0;
	v0 =	vand.u32 $0xFFFF, v2  }
0x3e: {  	[tilespmem:$0x28D0] =	vst v0;
	v0 =	vshrl.u32 v2, $0x10  }
0x3f: {  	[tilespmem:$0x29D0] =	vst v0;
	v0 =	vand.u32 $0xFFFF, v3  }
0x40: {  	[tilespmem:$0x28E0] =	vst v0;
	v0 =	vshrl.u32 v3, $0x10  }
0x41: {  	[tilespmem:$0x29E0] =	vst v0;
	v0 =	vand.u32 $0xFFFF, v1  }
0x42: {  	[tilespmem:$0x28F0] =	vst v0;
	v0 =	vshrl.u32 v1, $0x10  }
0x43: {  	[tilespmem:$0x29F0] =	vst v0  }
0x44: {  	[tilespmem:s16], [sflag:$0x5] =	stream.indirect.gather [hbm4b:s2+s12], $0x80, s15, s12, $0xb8;
	[tilespmem:$0x1EA00] =	vst v63  }
0x45: {  	_ =	swait.ge [sflag:s17], $0x4000  }
0x46: {  	[sflag:s17] =	ssyncset.done $0x0  }
0x47: {  	[sflag:s17] =	ssyncadd.s32 $0xFFFFC000  }
0x48: {  	[spmem:s3] =	stream.indirect.scatter.add.f32 [tilespmem:s14], [sflag:$0x9], $0x80, s18, s12, $0xb8;
	[tilespmem:$0x1EA00] =	vst v63  }
0x49: {  	_ =	swait.ge [sflag:s11], $0x4000  }
0x4a: {  	[sflag:s11] =	ssyncset.done $0x0  }
0x4b: {  	s22 =	simm.s32 $0x1F0;
	[sflag:s11] =	ssyncadd.s32 $0xFFFFC000  }
0x4c: {  	v0 =	vld [tilespmem:s22+$0xFFFFFF10];
	_ =	sdelay $0x4  }
0x4d: {  	v1 =	vand.u32 $0xFFFF, v0  }
0x4e: {  	v0 =	vshrl.u32 v0, $0x10;
	[tilespmem:$0x2800] =	vst v1  }
0x4f: {  	[tilespmem:$0x2900] =	vst v0  }
0x50: {  	v0 =	vld [tilespmem:s22+$0xFFFFFF20];
	_ =	sdelay $0x4  }
0x51: {  	v1 =	vand.u32 $0xFFFF, v0  }
0x52: {  	v0 =	vshrl.u32 v0, $0x10;
	[tilespmem:$0x2810] =	vst v1  }
0x53: {  	[tilespmem:$0x2910] =	vst v0  }
0x54: {  	v0 =	vld [tilespmem:s22+$0xFFFFFF30];
	_ =	sdelay $0x4  }
0x55: {  	v1 =	vand.u32 $0xFFFF, v0  }
0x56: {  	v0 =	vshrl.u32 v0, $0x10;
	[tilespmem:$0x2820] =	vst v1  }
0x57: {  	[tilespmem:$0x2920] =	vst v0  }
0x58: {  	v0 =	vld [tilespmem:s22+$0xFFFFFF40];
	_ =	sdelay $0x4  }
0x59: {  	v1 =	vand.u32 $0xFFFF, v0  }
0x5a: {  	v0 =	vshrl.u32 v0, $0x10;
	[tilespmem:$0x2830] =	vst v1  }
0x5b: {  	[tilespmem:$0x2930] =	vst v0  }
0x5c: {  	v0 =	vld [tilespmem:s22+$0xFFFFFF50];
	_ =	sdelay $0x4  }
0x5d: {  	v1 =	vand.u32 $0xFFFF, v0  }
0x5e: {  	v0 =	vshrl.u32 v0, $0x10;
	[tilespmem:$0x2840] =	vst v1  }
0x5f: {  	[tilespmem:$0x2940] =	vst v0  }
0x60: {  	v0 =	vld [tilespmem:s22+$0xFFFFFF60];
	_ =	sdelay $0x4  }
0x61: {  	v1 =	vand.u32 $0xFFFF, v0  }
0x62: {  	v0 =	vshrl.u32 v0, $0x10;
	[tilespmem:$0x2850] =	vst v1  }
0x63: {  	[tilespmem:$0x2950] =	vst v0  }
0x64: {  	v0 =	vld [tilespmem:s22+$0xFFFFFF70];
	_ =	sdelay $0x4  }
0x65: {  	v1 =	vand.u32 $0xFFFF, v0  }
0x66: {  	v0 =	vshrl.u32 v0, $0x10;
	[tilespmem:$0x2860] =	vst v1  }
0x67: {  	[tilespmem:$0x2960] =	vst v0  }
0x68: {  	v0 =	vld [tilespmem:s22+$0xFFFFFF80];
	_ =	sdelay $0x4  }
0x69: {  	v1 =	vand.u32 $0xFFFF, v0  }
0x6a: {  	v0 =	vshrl.u32 v0, $0x10;
	[tilespmem:$0x2870] =	vst v1  }
0x6b: {  	[tilespmem:$0x2970] =	vst v0  }
0x6c: {  	[tilespmem:s14], [sflag:$0x1] =	stream.indirect.gather [hbm4b:s2+s12], $0x80, s13, s12, $0xb8;
	[tilespmem:$0x1EA00] =	vst v63  }
0x6d: {  	_ =	swait.ge [sflag:s19], $0x4000  }
0x6e: {  	[sflag:s19] =	ssyncset.done $0x0  }
0x6f: {  	[sflag:s19] =	ssyncadd.s32 $0xFFFFC000  }
0x70: {  	[spmem:s3] =	stream.indirect.scatter.add.f32 [tilespmem:s16], [sflag:$0x9], $0x80, s20, s12, $0xb8;
	[tilespmem:$0x1EA00] =	vst v63  }
0x71: {  	_ =	swait.ge [sflag:s11], $0x4000  }
0x72: {  	[sflag:s11] =	ssyncset.done $0x0  }
0x73: {  	[sflag:s11] =	ssyncadd.s32 $0xFFFFC000  }
0x74: {  	v0 =	vld [tilespmem:s22+$0xFFFFFF90];
	_ =	sdelay $0x4  }
0x75: {  	v1 =	vand.u32 $0xFFFF, v0  }
0x76: {  	v0 =	vshrl.u32 v0, $0x10;
	[tilespmem:$0x2880] =	vst v1  }
0x77: {  	[tilespmem:$0x2980] =	vst v0  }
0x78: {  	v0 =	vld [tilespmem:s22+$0xFFFFFFA0];
	_ =	sdelay $0x4  }
0x79: {  	v1 =	vand.u32 $0xFFFF, v0  }
0x7a: {  	v0 =	vshrl.u32 v0, $0x10;
	[tilespmem:$0x2890] =	vst v1  }
0x7b: {  	[tilespmem:$0x2990] =	vst v0  }
0x7c: {  	v0 =	vld [tilespmem:s22+$0xFFFFFFB0];
	_ =	sdelay $0x4  }
0x7d: {  	v1 =	vand.u32 $0xFFFF, v0  }
0x7e: {  	v0 =	vshrl.u32 v0, $0x10;
	[tilespmem:$0x28A0] =	vst v1  }
0x7f: {  	[tilespmem:$0x29A0] =	vst v0  }
0x80: {  	v0 =	vld [tilespmem:s22+$0xFFFFFFC0];
	_ =	sdelay $0x4  }
0x81: {  	v1 =	vand.u32 $0xFFFF, v0  }
0x82: {  	v0 =	vshrl.u32 v0, $0x10;
	[tilespmem:$0x28B0] =	vst v1  }
0x83: {  	[tilespmem:$0x29B0] =	vst v0  }
0x84: {  	v0 =	vld [tilespmem:s22+$0xFFFFFFD0];
	_ =	sdelay $0x4  }
0x85: {  	v1 =	vand.u32 $0xFFFF, v0  }
0x86: {  	v0 =	vshrl.u32 v0, $0x10;
	[tilespmem:$0x28C0] =	vst v1  }
0x87: {  	[tilespmem:$0x29C0] =	vst v0  }
0x88: {  	v0 =	vld [tilespmem:s22+$0xFFFFFFE0];
	_ =	sdelay $0x4  }
0x89: {  	v1 =	vand.u32 $0xFFFF, v0  }
0x8a: {  	v0 =	vshrl.u32 v0, $0x10;
	[tilespmem:$0x28D0] =	vst v1  }
0x8b: {  	[tilespmem:$0x29D0] =	vst v0  }
0x8c: {  	v0 =	vld [tilespmem:s22+$0xFFFFFFF0];
	_ =	sdelay $0x4  }
0x8d: {  	v1 =	vand.u32 $0xFFFF, v0  }
0x8e: {  	s23 =	simm.s32 $0xBC0;
	v0 =	vshrl.u32 v0, $0x10;
	[tilespmem:$0x28E0] =	vst v1  }
.LBB2_2:
0x8f: {  	p0 =	sne.s32 s23, $0x9FC0;
	[tilespmem:$0x29E0] =	vst v0;
	s24 =	smov.u32 s23;
	s23 =	sadd.s32 $0x400, s23  }
0x90: {  	v0 =	vld [tilespmem:s22+$0x0];
	_ =	sdelay $0x4  }
0x91: {  	v1 =	vand.u32 $0xFFFF, v0;
	v0 =	vshrl.u32 v0, $0x10  }
0x92: {  	[tilespmem:$0x28F0] =	vst v1  }
0x93: {  	[tilespmem:$0x29F0] =	vst v0  }
0x94: {  	[tilespmem:s16], [sflag:$0x5] =	stream.indirect.gather [hbm4b:s2+s12], $0x80, s15, s12, $0xb8;
	[tilespmem:$0x1EA00] =	vst v63  }
0x95: {  	_ =	swait.ge [sflag:s17], $0x4000  }
0x96: {  	[sflag:s17] =	ssyncset.done $0x0  }
0x97: {  	[sflag:s17] =	ssyncadd.s32 $0xFFFFC000  }
0x98: {  	[spmem:s3] =	stream.indirect.scatter.add.f32 [tilespmem:s14], [sflag:$0x9], $0x80, s18, s12, $0xb8;
	[tilespmem:$0x1EA00] =	vst v63  }
0x99: {  	_ =	swait.ge [sflag:s11], $0x4000  }
0x9a: {  	[sflag:s11] =	ssyncset.done $0x0  }
0x9b: {  	s22 =	sshra.s32 s24, $0x2;
	[sflag:s11] =	ssyncadd.s32 $0xFFFFC000  }
0x9c: {  	v0 =	vld [tilespmem:s22+$0xFFFFFF10];
	_ =	sdelay $0x4  }
0x9d: {  	v1 =	vand.u32 $0xFFFF, v0;
	v0 =	vshrl.u32 v0, $0x10  }
0x9e: {  	[tilespmem:$0x2800] =	vst v1  }
0x9f: {  	[tilespmem:$0x2900] =	vst v0  }
0xa0: {  	v0 =	vld [tilespmem:s22+$0xFFFFFF20];
	_ =	sdelay $0x4  }
0xa1: {  	v1 =	vand.u32 $0xFFFF, v0;
	v0 =	vshrl.u32 v0, $0x10  }
0xa2: {  	[tilespmem:$0x2810] =	vst v1  }
0xa3: {  	[tilespmem:$0x2910] =	vst v0  }
0xa4: {  	v0 =	vld [tilespmem:s22+$0xFFFFFF30];
	_ =	sdelay $0x4  }
0xa5: {  	v1 =	vand.u32 $0xFFFF, v0;
	v0 =	vshrl.u32 v0, $0x10  }
0xa6: {  	[tilespmem:$0x2820] =	vst v1  }
0xa7: {  	[tilespmem:$0x2920] =	vst v0  }
0xa8: {  	v0 =	vld [tilespmem:s22+$0xFFFFFF40];
	_ =	sdelay $0x4  }
0xa9: {  	v1 =	vand.u32 $0xFFFF, v0;
	v0 =	vshrl.u32 v0, $0x10  }
0xaa: {  	[tilespmem:$0x2830] =	vst v1  }
0xab: {  	[tilespmem:$0x2930] =	vst v0  }
0xac: {  	v0 =	vld [tilespmem:s22+$0xFFFFFF50];
	_ =	sdelay $0x4  }
0xad: {  	v1 =	vand.u32 $0xFFFF, v0;
	v0 =	vshrl.u32 v0, $0x10  }
0xae: {  	[tilespmem:$0x2840] =	vst v1  }
0xaf: {  	[tilespmem:$0x2940] =	vst v0  }
0xb0: {  	v0 =	vld [tilespmem:s22+$0xFFFFFF60];
	_ =	sdelay $0x4  }
0xb1: {  	v1 =	vand.u32 $0xFFFF, v0;
	v0 =	vshrl.u32 v0, $0x10  }
0xb2: {  	[tilespmem:$0x2850] =	vst v1  }
0xb3: {  	[tilespmem:$0x2950] =	vst v0  }
0xb4: {  	v0 =	vld [tilespmem:s22+$0xFFFFFF70];
	_ =	sdelay $0x4  }
0xb5: {  	v1 =	vand.u32 $0xFFFF, v0;
	v0 =	vshrl.u32 v0, $0x10  }
0xb6: {  	[tilespmem:$0x2860] =	vst v1  }
0xb7: {  	[tilespmem:$0x2960] =	vst v0  }
0xb8: {  	v0 =	vld [tilespmem:s22+$0xFFFFFF80];
	_ =	sdelay $0x4  }
0xb9: {  	v1 =	vand.u32 $0xFFFF, v0;
	v0 =	vshrl.u32 v0, $0x10  }
0xba: {  	[tilespmem:$0x2870] =	vst v1  }
0xbb: {  	[tilespmem:$0x2970] =	vst v0  }
0xbc: {  	[tilespmem:s14], [sflag:$0x1] =	stream.indirect.gather [hbm4b:s2+s12], $0x80, s13, s12, $0xb8;
	[tilespmem:$0x1EA00] =	vst v63  }
0xbd: {  	_ =	swait.ge [sflag:s19], $0x4000  }
0xbe: {  	[sflag:s19] =	ssyncset.done $0x0  }
0xbf: {  	[sflag:s19] =	ssyncadd.s32 $0xFFFFC000  }
0xc0: {  	[spmem:s3] =	stream.indirect.scatter.add.f32 [tilespmem:s16], [sflag:$0x9], $0x80, s20, s12, $0xb8;
	[tilespmem:$0x1EA00] =	vst v63  }
0xc1: {  	_ =	swait.ge [sflag:s11], $0x4000  }
0xc2: {  	[sflag:s11] =	ssyncset.done $0x0  }
0xc3: {  	[sflag:s11] =	ssyncadd.s32 $0xFFFFC000  }
0xc4: {  	v0 =	vld [tilespmem:s22+$0xFFFFFF90];
	_ =	sdelay $0x4  }
0xc5: {  	v1 =	vand.u32 $0xFFFF, v0;
	v0 =	vshrl.u32 v0, $0x10  }
0xc6: {  	[tilespmem:$0x2880] =	vst v1  }
0xc7: {  	[tilespmem:$0x2980] =	vst v0  }
0xc8: {  	v0 =	vld [tilespmem:s22+$0xFFFFFFA0];
	_ =	sdelay $0x4  }
0xc9: {  	v1 =	vand.u32 $0xFFFF, v0;
	v0 =	vshrl.u32 v0, $0x10  }
0xca: {  	[tilespmem:$0x2890] =	vst v1  }
0xcb: {  	[tilespmem:$0x2990] =	vst v0  }
0xcc: {  	v0 =	vld [tilespmem:s22+$0xFFFFFFB0];
	_ =	sdelay $0x4  }
0xcd: {  	v1 =	vand.u32 $0xFFFF, v0;
	v0 =	vshrl.u32 v0, $0x10  }
0xce: {  	[tilespmem:$0x28A0] =	vst v1  }
0xcf: {  	[tilespmem:$0x29A0] =	vst v0  }
0xd0: {  	v0 =	vld [tilespmem:s22+$0xFFFFFFC0];
	_ =	sdelay $0x4  }
0xd1: {  	v1 =	vand.u32 $0xFFFF, v0;
	v0 =	vshrl.u32 v0, $0x10  }
0xd2: {  	[tilespmem:$0x28B0] =	vst v1  }
0xd3: {  	[tilespmem:$0x29B0] =	vst v0  }
0xd4: {  	v0 =	vld [tilespmem:s22+$0xFFFFFFD0];
	_ =	sdelay $0x4  }
0xd5: {  	v1 =	vand.u32 $0xFFFF, v0;
	v0 =	vshrl.u32 v0, $0x10  }
0xd6: {  	[tilespmem:$0x28C0] =	vst v1  }
0xd7: {  	[tilespmem:$0x29C0] =	vst v0  }
0xd8: {  	v0 =	vld [tilespmem:s22+$0xFFFFFFE0];
	_ =	sdelay $0x4  }
0xd9: {  	v1 =	vand.u32 $0xFFFF, v0;
	v0 =	vshrl.u32 v0, $0x10  }
0xda: {  	[tilespmem:$0x28D0] =	vst v1  }
0xdb: {  	[tilespmem:$0x29D0] =	vst v0  }
0xdc: {  	v0 =	vld [tilespmem:s22+$0xFFFFFFF0];
	_ =	sdelay $0x1  }
.Ltmp0:
0xdd: {  	(pc) =	sbr.rel @p0 .LBB2_2-.Ltmp0, $3  }
0xde: {  	_ =	sdelay $0x1  }
0xdf: {  	v1 =	vand.u32 $0xFFFF, v0;
	v0 =	vshrl.u32 v0, $0x10  }
0xe0: {  	[tilespmem:$0x28E0] =	vst v1  }
0xe1: {  	[tilespmem:$0x29E0] =	vst v0  }
0xe2: {  	v0 =	vld [tilespmem:s22+$0x0];
	_ =	sdelay $0x4  }
0xe3: {  	v1 =	vand.u32 $0xFFFF, v0  }
0xe4: {  	v0 =	vshrl.u32 v0, $0x10;
	[tilespmem:$0x28F0] =	vst v1  }
0xe5: {  	[tilespmem:$0x29F0] =	vst v0  }
0xe6: {  	[tilespmem:s16], [sflag:$0x5] =	stream.indirect.gather [hbm4b:s2+s12], $0x80, s15, s12, $0xb8;
	[tilespmem:$0x1EA00] =	vst v63  }
0xe7: {  	_ =	swait.ge [sflag:s17], $0x4000  }
0xe8: {  	[sflag:s17] =	ssyncset.done $0x0  }
0xe9: {  	[sflag:s17] =	ssyncadd.s32 $0xFFFFC000  }
0xea: {  	[spmem:s3] =	stream.indirect.scatter.add.f32 [tilespmem:s14], [sflag:$0x9], $0x80, s18, s12, $0xb8;
	[tilespmem:$0x1EA00] =	vst v63  }
0xeb: {  	_ =	swait.ge [sflag:s11], $0x4000  }
0xec: {  	[sflag:s11] =	ssyncset.done $0x0  }
0xed: {  	[sflag:s11] =	ssyncadd.s32 $0xFFFFC000  }
0xee: {  	_ =	swait.ge [sflag:s19], $0x4000  }
0xef: {  	[sflag:s19] =	ssyncset.done $0x0  }
0xf0: {  	[sflag:s19] =	ssyncadd.s32 $0xFFFFC000  }
0xf1: {  	[spmem:s3] =	stream.indirect.scatter.add.f32 [tilespmem:s16], [sflag:$0x9], $0x80, s20, s12, $0xb8;
	[tilespmem:$0x1EA00] =	vst v63  }
0xf2: {  	_ =	swait.ge [sflag:s11], $0x4000  }
0xf3: {  	s21 =	sadd.s32 $0x1, s21;
	[sflag:s11] =	ssyncset.done $0x0  }
0xf4: {  	p0 =	sne.s32 s21, s9;
	[sflag:s11] =	ssyncadd.s32 $0xFFFFC000  }
.Ltmp1:
0xf5: {  	[bflag:$0x0] =	sbarrier.arrive $0xFFFF;
	(pc) =	sbr.rel @p0 .LBB2_1-.Ltmp1, $4  }
0xf6: {  	[hbm:s8], [sflag:s6] =	dma.local [spmem:s10], $0x2800  }
0xf7: {  	_ =	swait.ge [sflag:s11], $0x2800  }
0xf8: {  	[sflag:s11] =	ssyncset.done $0x0  }
0xf9: {  	[sflag:s11] =	ssyncadd.s32 $0xFFFFD800  }
0xfa: {  	_ =	sfence.sel $0x180000  }
0xfb: {  	[bflag:$0x0] =	sbarrier.arrive $0xFFFF  }
0xfc: {  	p0 =	sne.s32 s0, $0x0;
	_ =	strace $0x9000004A  }
0xfd: {  	s0 =	sadd.s32 @!p0 $0x100000, s1;
	[bflag:$0x2] =	sbarrier.arrive $0xFFFF  }
0xfe: {  	[sflag:s0] =	ssyncadd.tile.s32 @!p0 $0x1;
	_ =	shalt  }
.Lfunc_end2:
_tile_overlayer_lowered:
.L_overlay_start_2:
0xff: {  	(tag) =	ssettag $0x2  }
0x100: {  	s0 =	rddreg [dreg:$0x0];
	s2 =	stileid.u32  }
0x101: {  	s1 =	rddreg [dreg:$0x1];
	p0 =	sne.s32 s2, $0x0  }
0x102: {  	s3 =	rddreg [dreg:$0x2];
	[bflag:$0x3] =	sbarrier.arrive $0xFFFF;
	s2 =	simm.s32 @!p0 $0x1C09  }
0x103: {  	[timem:s3], [sflag:s2] =	dma.local @!p0 [hbm:s0], s1  }
0x104: {  	s0 =	simm.s32 @!p0 $0x9  }
0x105: {  	_ =	swait.ge @!p0 [sflag:s0], s1  }
0x106: {  	s1 =	ssub.s32 @!p0 $0x0, s1;
	[sflag:s0] =	ssyncset.done @!p0 $0x0  }
0x107: {  	[sflag:s0] =	ssyncadd.s32 @!p0 s1  }
0x108: {  	[bflag:$0x3] =	sbarrier.arrive $0xFFFF  }
0x109: {  	_ =	shalt  }

// kernel: kernel.7.cloned.1.call-start
scs
__scs_entry_jumppad:
0x0: {  	(pc) =	sbr.rel $0x88, $3  }
0x1: {  	(tag) =	ssettag $0x0;
	lr =	simm.s32 $0x1  }
0x2: {  	[smem:$0x3F9D] =	sst lr;
	_ =	strace $0xD0000000  }
0x3: {  	_ = 	snop  }
0x4: {  	_ = 	snop  }
0x5: {  	_ = 	snop  }
0x6: {  	_ = 	snop  }
0x7: {  	_ = 	snop  }
__scs_overlays_trampoline_lowered:
0x8: {  	[smem:$0x3FAC] =	sst s0  }
0x9: {  	[smem:$0x3FAD] =	sst s1  }
0xa: {  	[smem:$0x3FAE] =	sst s2  }
0xb: {  	[smem:$0x3FAF] =	sst s3  }
0xc: {  	[smem:$0x3FB0] =	sst s4  }
0xd: {  	[smem:$0x3FB1] =	sst s5  }
0xe: {  	[smem:$0x3FB2] =	sst s6  }
0xf: {  	[smem:$0x3FB3] =	sst s7  }
0x10: {  	[smem:$0x3FB4] =	sst s8  }
0x11: {  	[smem:$0x3FB5] =	sst s9;
	s0 =	simm.s32 @!p0 $0x0  }
0x12: {  	s1 =	sld [smem:$0x3F9B];
	s0 =	simm.s32 @p0 $0x1  }
0x13: {  	[smem:$0x3FB6] =	sst s0;
	s0 =	simm.s32 @!p1 $0x0  }
0x14: {  	s2 =	sld [smem:$0x3F9A];
	s0 =	simm.s32 @p1 $0x1  }
0x15: {  	[smem:$0x3FB7] =	sst s0;
	s0 =	simm.s32 @!p2 $0x0  }
0x16: {  	s3 =	sld [smem:$0x3FDB];
	s0 =	simm.s32 @p2 $0x1  }
0x17: {  	s4 =	simm.s32 $0x1BF5;
	[smem:$0x3FB9] =	sst s0  }
0x18: {  	s0 =	sld [smem:$0x3F9C];
	_ =	swait.ge [sflag:s4], $0x0  }
0x19: {  	s7 =	sld [smem:$0x3F9D]  }
0x1a: {  	s8 =	sadd.s32 $0xFFFFE003, lr  }
0x1b: {  	s9 =	sadd.s32 $0xFFFFFEF7, lr;
	s5 =	simm.s32 $0xFFFFFFFF;
	p2 =	slt.u32 s8, $0xFFFFF086  }
0x1c: {  	p1 =	slt.u32 s9, $0xF7A;
	s5 =	simm.s32 @!p2 $0x0  }
0x1d: {  	s5 =	simm.s32 @p1 $0x1;
	p0 =	seq.s32 s7, s2  }
0x1e: {  	s7 =	smul.u32 @!p0 $0xF7A, s2;
	p2 =	seq.s32 @!p0 s5, $0x0  }
0x1f: {  	s9 =	smul.u32 $0xF7A, s1;
	s8 =	simm.s32 @!p0 $0x1BF5;
	p2 =	por !p2, p0  }
0x20: {  	[sflag:s8] =	ssyncset.s32 @!p0 $0xFFFFF086;
	s6 =	sadd.s32 @!p0 s3, s7;
	s7 =	simm.s32 @!p0 $0x108  }
0x21: {  	s3 =	sadd.s32 s3, s9;
	s6 =	sadd.s32 @!p0 $0x88, s6;
	s7 =	simm.s32 @p2 $0x1082  }
0x22: {  	[simem:s7], [sflag:s8] =	dma.local @!p0 [hbm:s6], $0xF7A  }
0x23: {  	s9 =	sor.u32 $0xD0000000, s2;
	s6 =	simm.s32 $0x108;
	_ =	swait.ge @!p0 [sflag:s8], $0x0  }
0x24: {  	s3 =	sadd.s32 $0x88, s3;
	s6 =	simm.s32 @!p1 $0x1082;
	[sflag:s4] =	ssyncset.s32 $0xFFFFF086  }
0x25: {  	[simem:s6], [sflag:s4] =	dma.local [hbm:s3], $0xF7A  }
0x26: {  	[smem:$0x3F9D] =	sst s1;
	(tag) =	ssettag s2;
	_ =	strace s9  }
0x27: {  	s1 =	sld [smem:$0x3FAD]  }
0x28: {  	s2 =	sld [smem:$0x3FAE]  }
0x29: {  	s4 =	sld [smem:$0x3FB0]  }
0x2a: {  	p0 =	seq.s32 s5, $0x0;
	s5 =	sld [smem:$0x3FB1]  }
0x2b: {  	s6 =	sld [smem:$0x3FB2]  }
0x2c: {  	s7 =	sld [smem:$0x3FB3]  }
0x2d: {  	s3 =	simm.s32 $0x108;
	s8 =	sld [smem:$0x3FB4]  }
0x2e: {  	s3 =	simm.s32 @!p0 $0x1082;
	s9 =	sld [smem:$0x3FB5]  }
0x2f: {  	lr =	sadd.s32 s0, s3;
	s0 =	sld [smem:$0x3FAC]  }
0x30: {  	s3 =	sld [smem:$0x3FAF]  }
0x31: {  	[smem:$0x3FB8] =	sst s10  }
0x32: {  	s10 =	sld [smem:$0x3FB6];
	_ =	sdelay $0x3  }
0x33: {  	p0 =	seq.s32 s10, $0x1;
	s10 =	sld [smem:$0x3FB8];
	_ =	sdelay $0x3  }
0x34: {  	[smem:$0x3FB8] =	sst s10  }
0x35: {  	s10 =	sld [smem:$0x3FB7];
	_ =	sdelay $0x3  }
0x36: {  	p1 =	seq.s32 s10, $0x1;
	s10 =	sld [smem:$0x3FB8];
	_ =	sdelay $0x3  }
0x37: {  	[smem:$0x3FB8] =	sst s10  }
0x38: {  	s10 =	sld [smem:$0x3FB9]  }
0x39: {  	_ = 	snop;
	(pc) =	sbr.ind lr, $3  }
0x3a: {  	_ = 	snop  }
0x3b: {  	_ = 	snop  }
0x3c: {  	p2 =	seq.s32 s10, $0x1;
	s10 =	sld [smem:$0x3FB8]  }
0x3d: {  	_ =	shalt  }
0x3e: {  	_ =	shalt  }
0x3f: {  	_ =	shalt  }
0x40: {  	_ =	shalt  }
0x41: {  	_ =	shalt  }
0x42: {  	_ =	shalt  }
0x43: {  	_ =	shalt  }
0x44: {  	_ =	shalt  }
0x45: {  	_ =	shalt  }
0x46: {  	_ =	shalt  }
0x47: {  	_ =	shalt  }
0x48: {  	_ =	shalt  }
0x49: {  	_ =	shalt  }
0x4a: {  	_ =	shalt  }
0x4b: {  	_ =	shalt  }
0x4c: {  	_ =	shalt  }
0x4d: {  	_ =	shalt  }
0x4e: {  	_ =	shalt  }
0x4f: {  	_ =	shalt  }
0x50: {  	_ =	shalt  }
0x51: {  	_ =	shalt  }
0x52: {  	_ =	shalt  }
0x53: {  	_ =	shalt  }
0x54: {  	_ =	shalt  }
0x55: {  	_ =	shalt  }
0x56: {  	_ =	shalt  }
0x57: {  	_ =	shalt  }
0x58: {  	_ =	shalt  }
0x59: {  	_ =	shalt  }
0x5a: {  	_ =	shalt  }
0x5b: {  	_ =	shalt  }
0x5c: {  	_ =	shalt  }
0x5d: {  	_ =	shalt  }
0x5e: {  	_ =	shalt  }
0x5f: {  	_ =	shalt  }
0x60: {  	_ =	shalt  }
0x61: {  	_ =	shalt  }
0x62: {  	_ =	shalt  }
0x63: {  	_ =	shalt  }
0x64: {  	_ =	shalt  }
0x65: {  	_ =	shalt  }
0x66: {  	_ =	shalt  }
0x67: {  	_ =	shalt  }
0x68: {  	_ =	shalt  }
0x69: {  	_ =	shalt  }
0x6a: {  	_ =	shalt  }
0x6b: {  	_ =	shalt  }
0x6c: {  	_ =	shalt  }
0x6d: {  	_ =	shalt  }
0x6e: {  	_ =	shalt  }
0x6f: {  	_ =	shalt  }
0x70: {  	_ =	shalt  }
0x71: {  	_ =	shalt  }
0x72: {  	_ =	shalt  }
0x73: {  	_ =	shalt  }
0x74: {  	_ =	shalt  }
0x75: {  	_ =	shalt  }
0x76: {  	_ =	shalt  }
0x77: {  	_ =	shalt  }
0x78: {  	_ =	shalt  }
0x79: {  	_ =	shalt  }
0x7a: {  	_ =	shalt  }
0x7b: {  	_ =	shalt  }
0x7c: {  	_ =	shalt  }
0x7d: {  	_ =	shalt  }
0x7e: {  	_ =	shalt  }
0x7f: {  	_ =	shalt  }
0x80: {  	_ =	shalt  }
0x81: {  	_ =	shalt  }
0x82: {  	_ =	shalt  }
0x83: {  	_ =	shalt  }
0x84: {  	_ =	shalt  }
0x85: {  	_ =	shalt  }
0x86: {  	_ =	shalt  }
0x87: {  	_ =	shalt  }
.Lfunc_end0:
.L_simem_size_0:
called_computation_lowered:
.L_overlay_start_0:
0x88: {  	s2 =	sld [smem:$0x3FD9]  }
0x89: {  	s3 =	sld [smem:$0x3FFE];
	_ =	sdelay $0x1  }
0x8a: {  	s1 =	srdreg.scid  }
0x8b: {  	s0 =	sand.u32 $0x1, s1  }
0x8c: {  	s16 =	sshll.u32 s0, $0xA;
	s2 =	sadd.s32 s3, s2  }
0x8d: {  	s2 =	sadd.s32 s2, s16  }
0x8e: {  	[smem:$0x3FC4] =	sst s2  }
0x8f: {  	_ = 	snop  }
0x90: {  	(tm) =	ssettm $0x1  }
0x91: {  	s17 =	sld [smem:$0x3FFB];
	_ =	sdelay $0x3  }
0x92: {  	_ =	strace s17  }
0x93: {  	s2 =	sld [smem:$0x3FFC];
	_ =	sdelay $0x3  }
0x94: {  	_ =	strace s2  }
0x95: {  	s2 =	sld [smem:$0x3FFD];
	_ =	sdelay $0x3  }
0x96: {  	_ =	strace s2  }
0x97: {  	_ =	strace $0x8FFFFFFF  }
0x98: {  	s18 =	sld [smem:$0x3FDB];
	_ =	sdelay $0x1  }
0x99: {  	s19 =	simm.s32 $_scs_section_size  }
0x9a: {  	s4 =	simm.s32 $_size__tile_overlayer_lowered;
	s5 =	simm.s32 $_tile_overlayer_lowered  }
0x9b: {  	s22 =	simm.s32 $0x1BFF;
	s21 =	sshll.u32 s5, $0x1;
	s2 =	sadd.s32 s19, s18  }
0x9c: {  	s6 =	simm.s32 $0x0;
	s20 =	sshll.u32 s4, $0x1;
	s4 =	sadd.s32 s21, s2  }
0x9d: {  	[timem:s6], [sflag:s22] =	dma.local [hbm:s4], s20  }
0x9e: {  	_ =	swait.ge [sflag:s22], s20  }
0x9f: {  	s3 =	ssub.s32 $0x0, s20;
	[sflag:s22] =	ssyncset.done $0x0  }
0xa0: {  	[sflag:s22] =	ssyncadd.s32 s3;
	_ =	sdelay $0x1  }
0xa1: {  	s23 =	simm.s32 $0x1B8B  }
0xa2: {  	_ =	swait.ge [sflag:s23], $0x1  }
0xa3: {  	[sflag:s23] =	ssyncset.done $0x0  }
0xa4: {  	s25 =	simm.s32 $0x1B8E;
	s24 =	sld [smem:$0x3FFE];
	[sflag:s23] =	ssyncadd.s32 $0xFFFFFFFF  }
0xa5: {  	s26 =	simm.s32 $execute0_lowered;
	[smem:$0x3FD2] =	sst s25  }
0xa6: {  	s4 =	sshll.u32 s26, $0x1;
	_ =	strace $0x80000046;
	[dreg:$0x1] =	wrdreg $0xFFFFFFFF  }
0xa7: {  	s28 =	simm.s32 $_size_execute0_lowered;
	s2 =	sadd.s32 s2, s4;
	[dreg:$0x0] =	wrdreg $0x0  }
0xa8: {  	s4 =	sshll.u32 s28, $0x1;
	[dreg:$0x2] =	wrdreg s2  }
0xa9: {  	[dreg:$0x3] =	wrdreg s4  }
0xaa: {  	[dreg:$0x4] =	wrdreg $0xC0  }
0xab: {  	_ =	task [dreg:s6], $0x5FFFF  }
0xac: {  	[dreg:$0x1] =	wrdreg $0xFFFFFFFF  }
0xad: {  	[dreg:$0x0] =	wrdreg $0x60  }
0xae: {  	[dreg:$0x2] =	wrdreg s24  }
0xaf: {  	[dreg:$0x3] =	wrdreg $0x14800  }
0xb0: {  	[dreg:$0x4] =	wrdreg $0x9  }
0xb1: {  	_ =	task.clear_ibuf [dreg:s6], $0x5FFFF;
	_ =	strace $0x90000046  }
0xb2: {  	s29 =	simm.s32 $0x9;
	_ =	strace $0x80000048  }
0xb3: {  	_ =	swait.ge [sflag:s29], $0x1  }
0xb4: {  	[sflag:s29] =	ssyncadd.s32 $0xFFFFFFFF  }
0xb5: {  	_ =	strace $0x90000048  }
0xb6: {  	_ =	sfence  }
0xb7: {  	s30 =	sld [smem:$0x0];
	_ =	sdelay $0x2  }
0xb8: {  	s31 =	sshll.u32 s1, $0xD;
	s1 =	sshrl.u32 s1, $0x2  }
0xb9: {  	s3 =	sand.u32 $0x4000, s31;
	s1 =	sadd.s32 s1, s30  }
0xba: {  	s0 =	sor.u32 s3, s0;
	s1 =	sshll.u32 s1, $0x11  }
0xbb: {  	s0 =	sor.u32 s1, s0  }
0xbc: {  	s0 =	sadd.s32 $0x8F2B, s0  }
0xbd: {  	[sflag:s0] =	ssyncadd.remote.s32 $0x1  }
0xbe: {  	_ =	sfence.sel $0xFFFF  }
0xbf: {  	[dreg:$0x0] =	wrdreg $0xFFFFFFFF;
	(pc) =	sbr.abs _section_cstart, $3  }
0xc0: {  	[dreg:$0x1] =	wrdreg $0xFFFFFFFF  }
0xc1: {  	_ =	task.clear_ibuf [dreg:s6], $0x2FFFF;
	_ =	strace $0x9FFFFFFF  }
0xc2: {  	(tm) =	ssettm $0x7FFFFFFF  }
0xc3: {  	_ =	shalt  }
tec
execute0_lowered:
.L_overlay_start_1:
0x0: {  	(tag) =	ssettag $0x1  }
0x1: {  	s1 =	srdreg.scid;
	s6 =	rddreg [dreg:$0x0]  }
0x2: {  	s0 =	stileid.u32;
	s2 =	rddreg [dreg:$0x1];
	s3 =	simm.s32 $0x0  }
0x3: {  	s13 =	simm.s32 $0x80;
	s14 =	simm.s32 $0x20;
	s15 =	simm.s32 $0x10  }
0x4: {  	s16 =	simm.s32 $0x0;
	s5 =	sand.u32 $0x1, s1;
	s1 =	rddreg [dreg:$0x2]  }
0x5: {  	s26 =	sshll.u32 s0, $0x1;
	[smem:$0x7FF] =	sst s3;
	s7 =	smul.u32 $0x500, s0  }
0x6: {  	s10 =	smul.u32 $0xA00, s0;
	s31 =	sshll.u32 s0, $0x6;
	s4 =	sor.u32 s5, s26  }
0x7: {  	_ =	strace $0x80000047;
	s8 =	sshll.u32 s5, $0x7;
	s28 =	ssub.s32 $0x2, s5  }
0x8: {  	s5 =	sadd.s32 $0x6C00, s6;
	s4 =	smul.u32 $0x280, s4;
	s7 =	sor.u32 s8, s7  }
0x9: {  	s29 =	sshrl.u32 s28, $0x1;
	s30 =	sshrl.u32 s10, $0x2;
	s7 =	sshrl.u32 s7, $0x3  }
0xa: {  	s12 =	ssub.s32 s28, s29;
	s10 =	sadd.s32 s30, s2;
	s9 =	sadd.s32 s4, s6  }
0xb: {  	s4 =	sadd.s32 $0x6A00, s6;
	s11 =	sadd.s32 s7, s6;
	s6 =	sor.u32 $0x1C01, s31  }
0xc: {  	s10 =	sshrl.u32 s10, $0x3;
	s7 =	sadd.s32 $0x1A00, s9;
	s8 =	sadd.s32 $0x6E00, s11  }
0xd: {  	s9 =	smax.u32 s12, $0x1;
	s11 =	simm.s32 $0x1;
	s12 =	simm.s32 $0x1400  }
.LBB2_1:
0xe: {  	[spmem:s10], [sflag:s6] =	dma.local [hbm:s5], $0x50  }
0xf: {  	_ =	swait.ge [sflag:s11], $0x50  }
0x10: {  	[sflag:s11] =	ssyncset.done $0x0  }
0x11: {  	[sflag:s11] =	ssyncadd.s32 $0xFFFFFFB0  }
0x12: {  	[tilespmem:s12], [sflag:$0x1] =	stream.linear.gather [hbm4b:s4+s3], $0x80, $0x38;
	[tilespmem:$0x1700] =	vst v63  }
0x13: {  	_ =	swait.ge [sflag:s11], $0x80  }
0x14: {  	[sflag:s11] =	ssyncset.done $0x0  }
0x15: {  	[sflag:s11] =	ssyncadd.s32 $0xFFFFFF80  }
0x16: {  	[tilespmem:s3], [sflag:$0x1] =	stream.linear.gather [hbm4b:s7+s3], $0x1400, $0x38;
	[tilespmem:$0x1700] =	vst v63  }
0x17: {  	_ =	swait.ge [sflag:s11], $0x1400  }
0x18: {  	[sflag:s11] =	ssyncset.done $0x0  }
0x19: {  	[sflag:s11] =	ssyncadd.s32 $0xFFFFEC00  }
0x1a: {  	s17 =	simm.s32 $0x0;
	[bflag:$0x0] =	sbarrier.arrive $0xFFFF  }
0x1b: {  	[spmem:s2] =	stream.indirect.scatter.add.f32 [tilespmem:s12], [sflag:$0x1], $0x1, s17, s13, $0xb8;
	[tilespmem:$0x1700] =	vst v63  }
0x1c: {  	_ =	swait.ge [sflag:s11], $0x80  }
0x1d: {  	s17 =	simm.s32 $0x200;
	[sflag:s11] =	ssyncset.done $0x0  }
.LBB2_2:
0x1e: {  	s18 =	sshra.s32 s17, $0x2;
	[sflag:s11] =	ssyncadd.s32 $0xFFFFFF80;
	p0 =	sne.s32 s17, $0x4E00  }
0x1f: {  	[spmem:s2] =	stream.indirect.scatter.add.f32 [tilespmem:s12], [sflag:$0x1], $0x1, s18, s13, $0xb8;
	[tilespmem:$0x1700] =	vst v63  }
.Ltmp0:
0x20: {  	_ = 	snop;
	(pc) =	sbr.rel @p0 .LBB2_2-.Ltmp0, $4  }
0x21: {  	_ = 	snop  }
0x22: {  	s17 =	sadd.s32 $0x200, s17  }
0x23: {  	_ =	swait.ge [sflag:s11], $0x80  }
0x24: {  	[sflag:s11] =	ssyncset.done $0x0  }
0x25: {  	s16 =	sadd.s32 $0x1, s16  }
0x26: {  	[sflag:s11] =	ssyncadd.s32 $0xFFFFFF80;
	p0 =	sne.s32 s16, s9  }
.Ltmp1:
0x27: {  	[bflag:$0x0] =	sbarrier.arrive $0xFFFF;
	(pc) =	sbr.rel @p0 .LBB2_1-.Ltmp1, $4  }
0x28: {  	[hbm:s8@s14], [sflag:s6] =	dma.strided [spmem:s10@s15], $0x50, s11, $0x10   }
0x29: {  	_ =	swait.ge [sflag:s11], $0x50  }
0x2a: {  	[sflag:s11] =	ssyncset.done $0x0  }
0x2b: {  	[sflag:s11] =	ssyncadd.s32 $0xFFFFFFB0  }
0x2c: {  	_ =	sfence.sel $0x180000  }
0x2d: {  	[bflag:$0x0] =	sbarrier.arrive $0xFFFF  }
0x2e: {  	p0 =	sne.s32 s0, $0x0;
	_ =	strace $0x90000047  }
0x2f: {  	s0 =	sadd.s32 @!p0 $0x100000, s1;
	[bflag:$0x2] =	sbarrier.arrive $0xFFFF  }
0x30: {  	[sflag:s0] =	ssyncadd.tile.s32 @!p0 $0x1;
	_ =	shalt  }
.Lfunc_end2:
_tile_overlayer_lowered:
.L_overlay_start_2:
0x31: {  	(tag) =	ssettag $0x2  }
0x32: {  	s0 =	rddreg [dreg:$0x0];
	s2 =	stileid.u32  }
0x33: {  	s1 =	rddreg [dreg:$0x1];
	p0 =	sne.s32 s2, $0x0  }
0x34: {  	s3 =	rddreg [dreg:$0x2];
	[bflag:$0x3] =	sbarrier.arrive $0xFFFF;
	s2 =	simm.s32 @!p0 $0x1C01  }
0x35: {  	[timem:s3], [sflag:s2] =	dma.local @!p0 [hbm:s0], s1  }
0x36: {  	s0 =	simm.s32 @!p0 $0x1  }
0x37: {  	_ =	swait.ge @!p0 [sflag:s0], s1  }
0x38: {  	s1 =	ssub.s32 @!p0 $0x0, s1;
	[sflag:s0] =	ssyncset.done @!p0 $0x0  }
0x39: {  	[sflag:s0] =	ssyncadd.s32 @!p0 s1  }
0x3a: {  	[bflag:$0x3] =	sbarrier.arrive $0xFFFF  }
0x3b: {  	_ =	shalt  }

</sc_bundles>
